<compile_context>
chip_gen: v7x
topology: tpu7x:2x2x1
jax: 0.10.2.dev20260603
libtpu: 0.0.44.dev20260713+nightly
codegen_flags: <defaults>
</compile_context>

<pallas_src>
import functools

import jax
import jax.numpy as jnp
from jax import lax
from jax.experimental import pallas as pl
from jax.experimental.pallas import tpu as pltpu
from jax.experimental.pallas import tpu_sc as plsc

_V = 1000000
_H = _V // 2
_D = 64
_B = 4096
_S = 200
_N = _B * _S

_G = 128
_K = 5
_NC = 2
_NS = 16
_NW = _NC * _NS

_VB = 8192
_NT = (_V + 2 * _VB - 1) // (2 * _VB)
_TR = _NT * _VB


def _t1_body(a_ref, b_ref, tail_ref, out_ref):
    i = pl.program_id(0)

    @pl.when(i < _NT - 1)
    def _main():
        a = a_ref[...]
        b = b_ref[...]
        c = jnp.concatenate([a, b], axis=0)
        i128 = jnp.eye(128, dtype=jnp.float32)
        out_ref[...] = lax.dot_general(
            c, i128, (((0,), (0,)), ((), ())),
            preferred_element_type=jnp.float32)

    @pl.when(i == _NT - 1)
    def _tail():
        out_ref[...] = tail_ref[...]


def _transpose_table(table_t, tail_pre):
    last = _V // _VB - 2
    return pl.pallas_call(
        _t1_body,
        grid=(_NT,),
        in_specs=[
            pl.BlockSpec((_D, _VB), lambda i: (0, jnp.minimum(2 * i, last))),
            pl.BlockSpec((_D, _VB),
                         lambda i: (0, jnp.minimum(2 * i + 1, last + 1))),
            pl.BlockSpec((_VB, 128), lambda i: (0, 0)),
        ],
        out_specs=pl.BlockSpec((_VB, 128), lambda i: (i, 0)),
        out_shape=jax.ShapeDtypeStruct((_TR, 128), jnp.float32),
    )(table_t, table_t, tail_pre)


def _make_gather():
    rows_w = _N // _NW
    gpw = rows_w // _G
    n_ch = gpw // _K
    mesh = plsc.VectorSubcoreMesh(core_axis_name="c", subcore_axis_name="s")

    @functools.partial(
        pl.kernel,
        mesh=mesh,
        compiler_params=pltpu.CompilerParams(use_tc_tiling_on_sc=False),
        out_type=jax.ShapeDtypeStruct((_S, _B, 2 * _D), jnp.float32),
        scratch_types=[
            pltpu.VMEM((gpw, _G), jnp.int32),
            pltpu.VMEM((2, _K * _G, _D), jnp.float32),
            pltpu.SemaphoreType.DMA,
            pltpu.SemaphoreType.DMA,
        ],
    )
    def emb(idx_hbm, table_hbm, out_hbm, idx_v, rows_v, gsem, osem):
        wid = lax.axis_index("s") * _NC + lax.axis_index("c")
        gbase = wid * gpw
        pltpu.sync_copy(idx_hbm.at[pl.ds(gbase, gpw)], idx_v)

        def fire(ci, p):
            return [
                pltpu.async_copy(
                    table_hbm.at[idx_v.at[ci * _K + b]],
                    rows_v.at[p, pl.ds(b * _G, _G)], gsem)
                for b in range(_K)
            ]

        def wb(ci, p):
            slot0 = (gbase + ci * _K) * _G
            return pltpu.make_async_copy(
                rows_v.at[p],
                out_hbm.at[slot0 // _B, pl.ds(slot0 % _B, _K * _G),
                           pl.ds(0, _D)], osem)

        for cp in fire(0, 0):
            cp.wait()
        wb(0, 0).start()
        fire(1, 1)

        def chunk(ci, carry):
            p = lax.rem(ci, 2)
            for b in range(_K):
                pltpu.make_async_copy(
                    table_hbm.at[idx_v.at[ci * _K + b]],
                    rows_v.at[p, pl.ds(b * _G, _G)], gsem).wait()
            wb(ci, p).start()
            wb(ci - 1, 1 - p).wait()
            fire(ci + 1, 1 - p)
            return carry

        lax.fori_loop(1, n_ch - 1, chunk, 0)

        pl_last = (n_ch - 1) % 2
        for b in range(_K):
            pltpu.make_async_copy(
                table_hbm.at[idx_v.at[(n_ch - 1) * _K + b]],
                rows_v.at[pl_last, pl.ds(b * _G, _G)], gsem).wait()
        wb(n_ch - 1, pl_last).start()
        wb(n_ch - 2, 1 - pl_last).wait()
        wb(n_ch - 1, pl_last).wait()

    return emb


def _t3_body(in_ref, out_ref):
    x = in_ref[...]
    i64 = jnp.eye(64, dtype=jnp.float32)
    dn = (((0,), (0,)), ((), ()))
    for g in range(32):
        xg = x[g * 64:(g + 1) * 64, :]
        za = lax.dot_general(xg[:, :64], i64, dn,
                             preferred_element_type=jnp.float32)
        zb = lax.dot_general(xg[:, 64:], i64, dn,
                             preferred_element_type=jnp.float32)
        z = jnp.concatenate([za, zb], axis=1)
        out_ref[0, :, g, :, :] = z.reshape(8, 8, 128)


def _relayout_out(flat):
    return pl.pallas_call(
        _t3_body,
        grid=(_S,),
        in_specs=[pl.BlockSpec((2048, 128), lambda s: (s, 0))],
        out_specs=pl.BlockSpec(
            (1, 8, _B // 128, 8, 128), lambda s: (s, 0, 0, 0, 0)),
        out_shape=jax.ShapeDtypeStruct((_S, 8, _B // 128, 8, 128),
                                       jnp.float32),
    )(flat)


def kernel(token_ids, embeddings):
    ids = token_ids.astype(jnp.int32)
    j = ids & (2 * _VB - 1)
    rows = (ids - j) + 2 * (j & (_VB - 1)) + (j >> (_VB.bit_length() - 1))
    idx = rows.T.reshape(_N // _G, _G)
    tail_v = (_NT - 1) * 2 * _VB
    tail_pre = jnp.pad(embeddings[tail_v:],
                       ((0, _VB - (_V - tail_v)), (0, _D)))
    table_lin = _transpose_table(embeddings.T, tail_pre).reshape(2 * _TR, _D)
    gathered = _make_gather()(idx, table_lin)
    return jnp.transpose(gathered[:, :, :_D], (1, 0, 2))

# --- scband reference (transcript-rebuilt; emitter-appended) ---
"""Pipeline reference for scband-uniform-embedding-space-75402445848726 (READ-ONLY COPY).

The authoritative reference and input builder live on the scoring server;
editing this copy changes nothing except your own understanding.
"""

import jax, jax.numpy as jnp
import numpy as np

VOCAB_SIZE = 1000000
EMBEDDING_DIM = 64

def setup_inputs(seed: int = 0) -> dict:
    key = jax.random.key(seed)
    k_idx, k_emb = jax.random.split(key)
    token_ids = jax.random.randint(k_idx, (4096, 200), 0, VOCAB_SIZE, dtype=jnp.int64 if jax.config.jax_enable_x64 else jnp.int32)
    embeddings = jax.random.normal(k_emb, (VOCAB_SIZE, EMBEDDING_DIM), dtype=jnp.float32)
    embeddings = embeddings / jnp.linalg.norm(embeddings, axis=1, keepdims=True)
    return {"token_ids": token_ids, "embeddings": embeddings}

def reference(token_ids, embeddings):
    # Faithful translation of UniformEmbeddingSpace.forward: self.embeddings[token_ids]
    return jnp.take(embeddings, token_ids, axis=0)

if __name__ == "__main__":
    import jax
    _d = setup_inputs()
    print(jax.jit(kernel)(*tuple(_d.values())))

</pallas_src>

<mosaic_0001>
#map = affine_map<(d0, d1) -> (0, 0)>
#map1 = affine_map<(d0, d1) -> (0, 0, 0)>
module attributes {stable_mosaic.version = 14 : i64} {
  func.func @emb(%arg0: i32, %arg1: i32, %arg2: memref<6400x128xi32, #tpu.memory_space<hbm>>, %arg3: memref<1015808x64xf32, #tpu.memory_space<hbm>>, %arg4: memref<200x4096x128xf32, #tpu.memory_space<hbm>>, %arg5: memref<200x128xi32, #tpu.memory_space<vmem>>, %arg6: memref<2x640x64xf32, #tpu.memory_space<vmem>>, %arg7: memref<!tpu.dma_semaphore, #tpu.memory_space<semaphore_mem>>, %arg8: memref<!tpu.dma_semaphore, #tpu.memory_space<semaphore_mem>>) attributes {dimension_semantics = [#tpu.dimension_semantics<core_parallel>, #tpu.dimension_semantics<subcore_parallel>], iteration_bounds = array<i64: 2, 16>, scalar_prefetch = 0 : i64, scratch_operands = 4 : i64, tpu.core_type = #tpu.core_type<sc_vector_subcore>, window_params = [{transform_indices = #map}, {transform_indices = #map}, {transform_indices = #map1}]} {
    %mul3A = arith.constant 2 : i32
    %mul3A_0 = arith.muli %arg1, %mul3A : i32
    %add3A = arith.addi %mul3A_0, %arg0 : i32
    %mul3A_1 = arith.constant 200 : i32
    %mul3A_2 = arith.muli %add3A, %mul3A_1 : i32
    "tpu.region"() ({
      %run_scoped3A = tpu.sem_alloc : memref<!tpu.dma_semaphore, #tpu.memory_space<semaphore_mem>>
      %dma_start3A_472 = arith.constant 0 : i32
      %dma_start3A_473 = tpu.memref_slice %arg2[%mul3A_2, %dma_start3A_472] : memref<6400x128xi32, #tpu.memory_space<hbm>> -> memref<200x128xi32, #tpu.memory_space<hbm>>
      %dma_start3A_474 = arith.constant 0 : i32
      %dma_start3A_475 = tpu.memref_slice %arg2[%mul3A_2, %dma_start3A_474] : memref<6400x128xi32, #tpu.memory_space<hbm>> -> memref<200x128xi32, #tpu.memory_space<hbm>>
      tpu.enqueue_dma source(%dma_start3A_475 : memref<200x128xi32, #tpu.memory_space<hbm>>) target(%arg5 : memref<200x128xi32, #tpu.memory_space<vmem>>) target_semaphore(%run_scoped3A : memref<!tpu.dma_semaphore, #tpu.memory_space<semaphore_mem>>)
      %dma_wait3A_476 = arith.constant 0 : i32
      %dma_wait3A_477 = tpu.memref_slice %arg2[%mul3A_2, %dma_wait3A_476] : memref<6400x128xi32, #tpu.memory_space<hbm>> -> memref<200x128xi32, #tpu.memory_space<hbm>>
      %dma_wait3A_478 = arith.constant 0 : i32
      %dma_wait3A_479 = tpu.memref_slice %arg2[%mul3A_2, %dma_wait3A_478] : memref<6400x128xi32, #tpu.memory_space<hbm>> -> memref<200x128xi32, #tpu.memory_space<hbm>>
      tpu.wait_dma2 semaphore(%run_scoped3A : memref<!tpu.dma_semaphore, #tpu.memory_space<semaphore_mem>>) src(%dma_wait3A_479 : memref<200x128xi32, #tpu.memory_space<hbm>>) dst(%arg5 : memref<200x128xi32, #tpu.memory_space<vmem>>)
      tpu.yield
    }) : () -> ()
    %dma_start3A = arith.constant 0 : i32
    %dma_start3A_3 = arith.constant 0 : i32
    %dma_start3A_4 = arith.constant 0 : i32
    %dma_start3A_5 = arith.constant 0 : i32
    %dma_start3A_6 = tpu.memref_slice %arg6[%dma_start3A_3, %dma_start3A_4, %dma_start3A_5] : memref<2x640x64xf32, #tpu.memory_space<vmem>> -> memref<1x128x64xf32, #tpu.memory_space<vmem>>
    %dma_start3A_7 = tpu.memref_squeeze %dma_start3A_6 : memref<1x128x64xf32, #tpu.memory_space<vmem>> -> memref<128x64xf32, #tpu.memory_space<vmem>>
    %dma_start3A_8 = arith.constant 0 : i32
    %dma_start3A_9 = tpu.memref_slice %arg5[%dma_start3A, %dma_start3A_8] : memref<200x128xi32, #tpu.memory_space<vmem>> -> memref<1x128xi32, #tpu.memory_space<vmem>>
    %dma_start3A_10 = tpu.memref_squeeze %dma_start3A_9 : memref<1x128xi32, #tpu.memory_space<vmem>> -> memref<128xi32, #tpu.memory_space<vmem>>
    %dma_start3A_11 = arith.constant 0 : i32
    %dma_start3A_12 = arith.constant 0 : i32
    %dma_start3A_13 = tpu.memref_slice %arg3[%dma_start3A_11, %dma_start3A_12] : memref<1015808x64xf32, #tpu.memory_space<hbm>> -> memref<1015808x64xf32, #tpu.memory_space<hbm>>
    tpu.enqueue_indirect_dma source(%dma_start3A_13 : memref<1015808x64xf32, #tpu.memory_space<hbm>>) target(%dma_start3A_7 : memref<128x64xf32, #tpu.memory_space<vmem>>) offsets(%dma_start3A_10 : memref<128xi32, #tpu.memory_space<vmem>>) semaphore(%arg7 : memref<!tpu.dma_semaphore, #tpu.memory_space<semaphore_mem>>)
    %dma_start3A_14 = arith.constant 1 : i32
    %dma_start3A_15 = arith.constant 0 : i32
    %dma_start3A_16 = arith.constant 128 : i32
    %dma_start3A_17 = arith.constant 0 : i32
    %dma_start3A_18 = tpu.memref_slice %arg6[%dma_start3A_15, %dma_start3A_16, %dma_start3A_17] : memref<2x640x64xf32, #tpu.memory_space<vmem>> -> memref<1x128x64xf32, #tpu.memory_space<vmem>>
    %dma_start3A_19 = tpu.memref_squeeze %dma_start3A_18 : memref<1x128x64xf32, #tpu.memory_space<vmem>> -> memref<128x64xf32, #tpu.memory_space<vmem>>
    %dma_start3A_20 = arith.constant 0 : i32
    %dma_start3A_21 = tpu.memref_slice %arg5[%dma_start3A_14, %dma_start3A_20] : memref<200x128xi32, #tpu.memory_space<vmem>> -> memref<1x128xi32, #tpu.memory_space<vmem>>
    %dma_start3A_22 = tpu.memref_squeeze %dma_start3A_21 : memref<1x128xi32, #tpu.memory_space<vmem>> -> memref<128xi32, #tpu.memory_space<vmem>>
    %dma_start3A_23 = arith.constant 0 : i32
    %dma_start3A_24 = arith.constant 0 : i32
    %dma_start3A_25 = tpu.memref_slice %arg3[%dma_start3A_23, %dma_start3A_24] : memref<1015808x64xf32, #tpu.memory_space<hbm>> -> memref<1015808x64xf32, #tpu.memory_space<hbm>>
    tpu.enqueue_indirect_dma source(%dma_start3A_25 : memref<1015808x64xf32, #tpu.memory_space<hbm>>) target(%dma_start3A_19 : memref<128x64xf32, #tpu.memory_space<vmem>>) offsets(%dma_start3A_22 : memref<128xi32, #tpu.memory_space<vmem>>) semaphore(%arg7 : memref<!tpu.dma_semaphore, #tpu.memory_space<semaphore_mem>>)
    %dma_start3A_26 = arith.constant 2 : i32
    %dma_start3A_27 = arith.constant 0 : i32
    %dma_start3A_28 = arith.constant 256 : i32
    %dma_start3A_29 = arith.constant 0 : i32
    %dma_start3A_30 = tpu.memref_slice %arg6[%dma_start3A_27, %dma_start3A_28, %dma_start3A_29] : memref<2x640x64xf32, #tpu.memory_space<vmem>> -> memref<1x128x64xf32, #tpu.memory_space<vmem>>
    %dma_start3A_31 = tpu.memref_squeeze %dma_start3A_30 : memref<1x128x64xf32, #tpu.memory_space<vmem>> -> memref<128x64xf32, #tpu.memory_space<vmem>>
    %dma_start3A_32 = arith.constant 0 : i32
    %dma_start3A_33 = tpu.memref_slice %arg5[%dma_start3A_26, %dma_start3A_32] : memref<200x128xi32, #tpu.memory_space<vmem>> -> memref<1x128xi32, #tpu.memory_space<vmem>>
    %dma_start3A_34 = tpu.memref_squeeze %dma_start3A_33 : memref<1x128xi32, #tpu.memory_space<vmem>> -> memref<128xi32, #tpu.memory_space<vmem>>
    %dma_start3A_35 = arith.constant 0 : i32
    %dma_start3A_36 = arith.constant 0 : i32
    %dma_start3A_37 = tpu.memref_slice %arg3[%dma_start3A_35, %dma_start3A_36] : memref<1015808x64xf32, #tpu.memory_space<hbm>> -> memref<1015808x64xf32, #tpu.memory_space<hbm>>
    tpu.enqueue_indirect_dma source(%dma_start3A_37 : memref<1015808x64xf32, #tpu.memory_space<hbm>>) target(%dma_start3A_31 : memref<128x64xf32, #tpu.memory_space<vmem>>) offsets(%dma_start3A_34 : memref<128xi32, #tpu.memory_space<vmem>>) semaphore(%arg7 : memref<!tpu.dma_semaphore, #tpu.memory_space<semaphore_mem>>)
    %dma_start3A_38 = arith.constant 3 : i32
    %dma_start3A_39 = arith.constant 0 : i32
    %dma_start3A_40 = arith.constant 384 : i32
    %dma_start3A_41 = arith.constant 0 : i32
    %dma_start3A_42 = tpu.memref_slice %arg6[%dma_start3A_39, %dma_start3A_40, %dma_start3A_41] : memref<2x640x64xf32, #tpu.memory_space<vmem>> -> memref<1x128x64xf32, #tpu.memory_space<vmem>>
    %dma_start3A_43 = tpu.memref_squeeze %dma_start3A_42 : memref<1x128x64xf32, #tpu.memory_space<vmem>> -> memref<128x64xf32, #tpu.memory_space<vmem>>
    %dma_start3A_44 = arith.constant 0 : i32
    %dma_start3A_45 = tpu.memref_slice %arg5[%dma_start3A_38, %dma_start3A_44] : memref<200x128xi32, #tpu.memory_space<vmem>> -> memref<1x128xi32, #tpu.memory_space<vmem>>
    %dma_start3A_46 = tpu.memref_squeeze %dma_start3A_45 : memref<1x128xi32, #tpu.memory_space<vmem>> -> memref<128xi32, #tpu.memory_space<vmem>>
    %dma_start3A_47 = arith.constant 0 : i32
    %dma_start3A_48 = arith.constant 0 : i32
    %dma_start3A_49 = tpu.memref_slice %arg3[%dma_start3A_47, %dma_start3A_48] : memref<1015808x64xf32, #tpu.memory_space<hbm>> -> memref<1015808x64xf32, #tpu.memory_space<hbm>>
    tpu.enqueue_indirect_dma source(%dma_start3A_49 : memref<1015808x64xf32, #tpu.memory_space<hbm>>) target(%dma_start3A_43 : memref<128x64xf32, #tpu.memory_space<vmem>>) offsets(%dma_start3A_46 : memref<128xi32, #tpu.memory_space<vmem>>) semaphore(%arg7 : memref<!tpu.dma_semaphore, #tpu.memory_space<semaphore_mem>>)
    %dma_start3A_50 = arith.constant 4 : i32
    %dma_start3A_51 = arith.constant 0 : i32
    %dma_start3A_52 = arith.constant 512 : i32
    %dma_start3A_53 = arith.constant 0 : i32
    %dma_start3A_54 = tpu.memref_slice %arg6[%dma_start3A_51, %dma_start3A_52, %dma_start3A_53] : memref<2x640x64xf32, #tpu.memory_space<vmem>> -> memref<1x128x64xf32, #tpu.memory_space<vmem>>
    %dma_start3A_55 = tpu.memref_squeeze %dma_start3A_54 : memref<1x128x64xf32, #tpu.memory_space<vmem>> -> memref<128x64xf32, #tpu.memory_space<vmem>>
    %dma_start3A_56 = arith.constant 0 : i32
    %dma_start3A_57 = tpu.memref_slice %arg5[%dma_start3A_50, %dma_start3A_56] : memref<200x128xi32, #tpu.memory_space<vmem>> -> memref<1x128xi32, #tpu.memory_space<vmem>>
    %dma_start3A_58 = tpu.memref_squeeze %dma_start3A_57 : memref<1x128xi32, #tpu.memory_space<vmem>> -> memref<128xi32, #tpu.memory_space<vmem>>
    %dma_start3A_59 = arith.constant 0 : i32
    %dma_start3A_60 = arith.constant 0 : i32
    %dma_start3A_61 = tpu.memref_slice %arg3[%dma_start3A_59, %dma_start3A_60] : memref<1015808x64xf32, #tpu.memory_space<hbm>> -> memref<1015808x64xf32, #tpu.memory_space<hbm>>
    tpu.enqueue_indirect_dma source(%dma_start3A_61 : memref<1015808x64xf32, #tpu.memory_space<hbm>>) target(%dma_start3A_55 : memref<128x64xf32, #tpu.memory_space<vmem>>) offsets(%dma_start3A_58 : memref<128xi32, #tpu.memory_space<vmem>>) semaphore(%arg7 : memref<!tpu.dma_semaphore, #tpu.memory_space<semaphore_mem>>)
    %dma_wait3A = arith.constant 0 : i32
    %dma_wait3A_62 = arith.constant 0 : i32
    %dma_wait3A_63 = arith.constant 0 : i32
    %dma_wait3A_64 = arith.constant 0 : i32
    %dma_wait3A_65 = tpu.memref_slice %arg6[%dma_wait3A_62, %dma_wait3A_63, %dma_wait3A_64] : memref<2x640x64xf32, #tpu.memory_space<vmem>> -> memref<1x128x64xf32, #tpu.memory_space<vmem>>
    %dma_wait3A_66 = tpu.memref_squeeze %dma_wait3A_65 : memref<1x128x64xf32, #tpu.memory_space<vmem>> -> memref<128x64xf32, #tpu.memory_space<vmem>>
    %dma_wait3A_67 = arith.constant 0 : i32
    %dma_wait3A_68 = tpu.memref_slice %arg5[%dma_wait3A, %dma_wait3A_67] : memref<200x128xi32, #tpu.memory_space<vmem>> -> memref<1x128xi32, #tpu.memory_space<vmem>>
    %dma_wait3A_69 = tpu.memref_squeeze %dma_wait3A_68 : memref<1x128xi32, #tpu.memory_space<vmem>> -> memref<128xi32, #tpu.memory_space<vmem>>
    %dma_wait3A_70 = arith.constant 0 : i32
    %dma_wait3A_71 = arith.constant 0 : i32
    %dma_wait3A_72 = tpu.memref_slice %arg3[%dma_wait3A_70, %dma_wait3A_71] : memref<1015808x64xf32, #tpu.memory_space<hbm>> -> memref<1015808x64xf32, #tpu.memory_space<hbm>>
    tpu.wait_indirect_dma semaphore(%arg7 : memref<!tpu.dma_semaphore, #tpu.memory_space<semaphore_mem>>) src(%dma_wait3A_72 : memref<1015808x64xf32, #tpu.memory_space<hbm>>) dst(%dma_wait3A_66 : memref<128x64xf32, #tpu.memory_space<vmem>>)
    %dma_wait3A_73 = arith.constant 1 : i32
    %dma_wait3A_74 = arith.constant 0 : i32
    %dma_wait3A_75 = arith.constant 128 : i32
    %dma_wait3A_76 = arith.constant 0 : i32
    %dma_wait3A_77 = tpu.memref_slice %arg6[%dma_wait3A_74, %dma_wait3A_75, %dma_wait3A_76] : memref<2x640x64xf32, #tpu.memory_space<vmem>> -> memref<1x128x64xf32, #tpu.memory_space<vmem>>
    %dma_wait3A_78 = tpu.memref_squeeze %dma_wait3A_77 : memref<1x128x64xf32, #tpu.memory_space<vmem>> -> memref<128x64xf32, #tpu.memory_space<vmem>>
    %dma_wait3A_79 = arith.constant 0 : i32
    %dma_wait3A_80 = tpu.memref_slice %arg5[%dma_wait3A_73, %dma_wait3A_79] : memref<200x128xi32, #tpu.memory_space<vmem>> -> memref<1x128xi32, #tpu.memory_space<vmem>>
    %dma_wait3A_81 = tpu.memref_squeeze %dma_wait3A_80 : memref<1x128xi32, #tpu.memory_space<vmem>> -> memref<128xi32, #tpu.memory_space<vmem>>
    %dma_wait3A_82 = arith.constant 0 : i32
    %dma_wait3A_83 = arith.constant 0 : i32
    %dma_wait3A_84 = tpu.memref_slice %arg3[%dma_wait3A_82, %dma_wait3A_83] : memref<1015808x64xf32, #tpu.memory_space<hbm>> -> memref<1015808x64xf32, #tpu.memory_space<hbm>>
    tpu.wait_indirect_dma semaphore(%arg7 : memref<!tpu.dma_semaphore, #tpu.memory_space<semaphore_mem>>) src(%dma_wait3A_84 : memref<1015808x64xf32, #tpu.memory_space<hbm>>) dst(%dma_wait3A_78 : memref<128x64xf32, #tpu.memory_space<vmem>>)
    %dma_wait3A_85 = arith.constant 2 : i32
    %dma_wait3A_86 = arith.constant 0 : i32
    %dma_wait3A_87 = arith.constant 256 : i32
    %dma_wait3A_88 = arith.constant 0 : i32
    %dma_wait3A_89 = tpu.memref_slice %arg6[%dma_wait3A_86, %dma_wait3A_87, %dma_wait3A_88] : memref<2x640x64xf32, #tpu.memory_space<vmem>> -> memref<1x128x64xf32, #tpu.memory_space<vmem>>
    %dma_wait3A_90 = tpu.memref_squeeze %dma_wait3A_89 : memref<1x128x64xf32, #tpu.memory_space<vmem>> -> memref<128x64xf32, #tpu.memory_space<vmem>>
    %dma_wait3A_91 = arith.constant 0 : i32
    %dma_wait3A_92 = tpu.memref_slice %arg5[%dma_wait3A_85, %dma_wait3A_91] : memref<200x128xi32, #tpu.memory_space<vmem>> -> memref<1x128xi32, #tpu.memory_space<vmem>>
    %dma_wait3A_93 = tpu.memref_squeeze %dma_wait3A_92 : memref<1x128xi32, #tpu.memory_space<vmem>> -> memref<128xi32, #tpu.memory_space<vmem>>
    %dma_wait3A_94 = arith.constant 0 : i32
    %dma_wait3A_95 = arith.constant 0 : i32
    %dma_wait3A_96 = tpu.memref_slice %arg3[%dma_wait3A_94, %dma_wait3A_95] : memref<1015808x64xf32, #tpu.memory_space<hbm>> -> memref<1015808x64xf32, #tpu.memory_space<hbm>>
    tpu.wait_indirect_dma semaphore(%arg7 : memref<!tpu.dma_semaphore, #tpu.memory_space<semaphore_mem>>) src(%dma_wait3A_96 : memref<1015808x64xf32, #tpu.memory_space<hbm>>) dst(%dma_wait3A_90 : memref<128x64xf32, #tpu.memory_space<vmem>>)
    %dma_wait3A_97 = arith.constant 3 : i32
    %dma_wait3A_98 = arith.constant 0 : i32
    %dma_wait3A_99 = arith.constant 384 : i32
    %dma_wait3A_100 = arith.constant 0 : i32
    %dma_wait3A_101 = tpu.memref_slice %arg6[%dma_wait3A_98, %dma_wait3A_99, %dma_wait3A_100] : memref<2x640x64xf32, #tpu.memory_space<vmem>> -> memref<1x128x64xf32, #tpu.memory_space<vmem>>
    %dma_wait3A_102 = tpu.memref_squeeze %dma_wait3A_101 : memref<1x128x64xf32, #tpu.memory_space<vmem>> -> memref<128x64xf32, #tpu.memory_space<vmem>>
    %dma_wait3A_103 = arith.constant 0 : i32
    %dma_wait3A_104 = tpu.memref_slice %arg5[%dma_wait3A_97, %dma_wait3A_103] : memref<200x128xi32, #tpu.memory_space<vmem>> -> memref<1x128xi32, #tpu.memory_space<vmem>>
    %dma_wait3A_105 = tpu.memref_squeeze %dma_wait3A_104 : memref<1x128xi32, #tpu.memory_space<vmem>> -> memref<128xi32, #tpu.memory_space<vmem>>
    %dma_wait3A_106 = arith.constant 0 : i32
    %dma_wait3A_107 = arith.constant 0 : i32
    %dma_wait3A_108 = tpu.memref_slice %arg3[%dma_wait3A_106, %dma_wait3A_107] : memref<1015808x64xf32, #tpu.memory_space<hbm>> -> memref<1015808x64xf32, #tpu.memory_space<hbm>>
    tpu.wait_indirect_dma semaphore(%arg7 : memref<!tpu.dma_semaphore, #tpu.memory_space<semaphore_mem>>) src(%dma_wait3A_108 : memref<1015808x64xf32, #tpu.memory_space<hbm>>) dst(%dma_wait3A_102 : memref<128x64xf32, #tpu.memory_space<vmem>>)
    %dma_wait3A_109 = arith.constant 4 : i32
    %dma_wait3A_110 = arith.constant 0 : i32
    %dma_wait3A_111 = arith.constant 512 : i32
    %dma_wait3A_112 = arith.constant 0 : i32
    %dma_wait3A_113 = tpu.memref_slice %arg6[%dma_wait3A_110, %dma_wait3A_111, %dma_wait3A_112] : memref<2x640x64xf32, #tpu.memory_space<vmem>> -> memref<1x128x64xf32, #tpu.memory_space<vmem>>
    %dma_wait3A_114 = tpu.memref_squeeze %dma_wait3A_113 : memref<1x128x64xf32, #tpu.memory_space<vmem>> -> memref<128x64xf32, #tpu.memory_space<vmem>>
    %dma_wait3A_115 = arith.constant 0 : i32
    %dma_wait3A_116 = tpu.memref_slice %arg5[%dma_wait3A_109, %dma_wait3A_115] : memref<200x128xi32, #tpu.memory_space<vmem>> -> memref<1x128xi32, #tpu.memory_space<vmem>>
    %dma_wait3A_117 = tpu.memref_squeeze %dma_wait3A_116 : memref<1x128xi32, #tpu.memory_space<vmem>> -> memref<128xi32, #tpu.memory_space<vmem>>
    %dma_wait3A_118 = arith.constant 0 : i32
    %dma_wait3A_119 = arith.constant 0 : i32
    %dma_wait3A_120 = tpu.memref_slice %arg3[%dma_wait3A_118, %dma_wait3A_119] : memref<1015808x64xf32, #tpu.memory_space<hbm>> -> memref<1015808x64xf32, #tpu.memory_space<hbm>>
    tpu.wait_indirect_dma semaphore(%arg7 : memref<!tpu.dma_semaphore, #tpu.memory_space<semaphore_mem>>) src(%dma_wait3A_120 : memref<1015808x64xf32, #tpu.memory_space<hbm>>) dst(%dma_wait3A_114 : memref<128x64xf32, #tpu.memory_space<vmem>>)
    %add3A_121 = arith.constant 0 : i32
    %add3A_122 = arith.addi %mul3A_2, %add3A_121 : i32
    %mul3A_123 = arith.constant 128 : i32
    %mul3A_124 = arith.muli %add3A_122, %mul3A_123 : i32
    %jit3A = arith.constant 4096 : i32
    %div3A = arith.divsi %mul3A_124, %jit3A : i32
    %sign3A = arith.constant 0 : i32
    %sign3A_125 = arith.cmpi sgt, %mul3A_124, %sign3A : i32
    %sign3A_126 = arith.extui %sign3A_125 : i1 to i32
    %sign3A_127 = arith.constant 0 : i32
    %sign3A_128 = arith.cmpi slt, %mul3A_124, %sign3A_127 : i32
    %sign3A_129 = arith.extui %sign3A_128 : i1 to i32
    %sign3A_130 = arith.subi %sign3A_126, %sign3A_129 : i32
    %sign3A_131 = arith.constant 0 : i32
    %sign3A_132 = arith.cmpi sgt, %jit3A, %sign3A_131 : i32
    %sign3A_133 = arith.extui %sign3A_132 : i1 to i32
    %sign3A_134 = arith.constant 0 : i32
    %sign3A_135 = arith.cmpi slt, %jit3A, %sign3A_134 : i32
    %sign3A_136 = arith.extui %sign3A_135 : i1 to i32
    %sign3A_137 = arith.subi %sign3A_133, %sign3A_136 : i32
    %ne3A = arith.cmpi ne, %sign3A_130, %sign3A_137 : i32
    %rem3A = arith.remsi %mul3A_124, %jit3A : i32
    %ne3A_138 = arith.constant 0 : i32
    %ne3A_139 = arith.cmpi ne, %rem3A, %ne3A_138 : i32
    %and3A = arith.andi %ne3A, %ne3A_139 : i1
    %sub3A = arith.constant 1 : i32
    %sub3A_140 = arith.subi %div3A, %sub3A : i32
    %select_n3A = arith.select %and3A, %sub3A_140, %div3A : i32
    %jit3A_141 = arith.constant 4096 : i32
    %eq3A = arith.constant 0 : i32
    %eq3A_142 = arith.cmpi eq, %jit3A_141, %eq3A : i32
    %jit3A_143 = arith.constant 1 : i32
    %select_n3A_144 = arith.select %eq3A_142, %jit3A_143, %jit3A_141 : i32
    %rem3A_145 = arith.remsi %mul3A_124, %select_n3A_144 : i32
    %ne3A_146 = arith.constant 0 : i32
    %ne3A_147 = arith.cmpi ne, %rem3A_145, %ne3A_146 : i32
    %lt3A = arith.constant 0 : i32
    %lt3A_148 = arith.cmpi slt, %rem3A_145, %lt3A : i32
    %lt3A_149 = arith.constant 0 : i32
    %lt3A_150 = arith.cmpi slt, %select_n3A_144, %lt3A_149 : i32
    %ne3A_151 = arith.xori %lt3A_148, %lt3A_150 : i1
    %and3A_152 = arith.andi %ne3A_151, %ne3A_147 : i1
    %add3A_153 = arith.addi %rem3A_145, %select_n3A_144 : i32
    %select_n3A_154 = arith.select %and3A_152, %add3A_153, %rem3A_145 : i32
    %dma_start3A_155 = arith.constant 0 : i32
    %dma_start3A_156 = arith.constant 0 : i32
    %dma_start3A_157 = arith.constant 0 : i32
    %dma_start3A_158 = tpu.memref_slice %arg6[%dma_start3A_155, %dma_start3A_156, %dma_start3A_157] : memref<2x640x64xf32, #tpu.memory_space<vmem>> -> memref<1x640x64xf32, #tpu.memory_space<vmem>>
    %dma_start3A_159 = tpu.memref_squeeze %dma_start3A_158 : memref<1x640x64xf32, #tpu.memory_space<vmem>> -> memref<640x64xf32, #tpu.memory_space<vmem>>
    %dma_start3A_160 = arith.constant 0 : i32
    %dma_start3A_161 = tpu.memref_slice %arg4[%select_n3A, %select_n3A_154, %dma_start3A_160] : memref<200x4096x128xf32, #tpu.memory_space<hbm>> -> memref<1x640x64xf32, #tpu.memory_space<hbm>>
    %dma_start3A_162 = tpu.memref_squeeze %dma_start3A_161 : memref<1x640x64xf32, #tpu.memory_space<hbm>> -> memref<640x64xf32, #tpu.memory_space<hbm>>
    %dma_start3A_163 = arith.constant 0 : i32
    %dma_start3A_164 = tpu.memref_slice %arg4[%select_n3A, %select_n3A_154, %dma_start3A_163] : memref<200x4096x128xf32, #tpu.memory_space<hbm>> -> memref<1x640x64xf32, #tpu.memory_space<hbm>>
    %dma_start3A_165 = tpu.memref_squeeze %dma_start3A_164 : memref<1x640x64xf32, #tpu.memory_space<hbm>> -> memref<640x64xf32, #tpu.memory_space<hbm>>
    %dma_start3A_166 = arith.constant 0 : i32
    %dma_start3A_167 = arith.constant 0 : i32
    %dma_start3A_168 = tpu.memref_slice %arg6[%dma_start3A_155, %dma_start3A_166, %dma_start3A_167] : memref<2x640x64xf32, #tpu.memory_space<vmem>> -> memref<1x640x64xf32, #tpu.memory_space<vmem>>
    %dma_start3A_169 = tpu.memref_squeeze %dma_start3A_168 : memref<1x640x64xf32, #tpu.memory_space<vmem>> -> memref<640x64xf32, #tpu.memory_space<vmem>>
    tpu.enqueue_dma source(%dma_start3A_169 : memref<640x64xf32, #tpu.memory_space<vmem>>) target(%dma_start3A_165 : memref<640x64xf32, #tpu.memory_space<hbm>>) target_semaphore(%arg8 : memref<!tpu.dma_semaphore, #tpu.memory_space<semaphore_mem>>)
    %dma_start3A_170 = arith.constant 5 : i32
    %dma_start3A_171 = arith.constant 1 : i32
    %dma_start3A_172 = arith.constant 0 : i32
    %dma_start3A_173 = arith.constant 0 : i32
    %dma_start3A_174 = tpu.memref_slice %arg6[%dma_start3A_171, %dma_start3A_172, %dma_start3A_173] : memref<2x640x64xf32, #tpu.memory_space<vmem>> -> memref<1x128x64xf32, #tpu.memory_space<vmem>>
    %dma_start3A_175 = tpu.memref_squeeze %dma_start3A_174 : memref<1x128x64xf32, #tpu.memory_space<vmem>> -> memref<128x64xf32, #tpu.memory_space<vmem>>
    %dma_start3A_176 = arith.constant 0 : i32
    %dma_start3A_177 = tpu.memref_slice %arg5[%dma_start3A_170, %dma_start3A_176] : memref<200x128xi32, #tpu.memory_space<vmem>> -> memref<1x128xi32, #tpu.memory_space<vmem>>
    %dma_start3A_178 = tpu.memref_squeeze %dma_start3A_177 : memref<1x128xi32, #tpu.memory_space<vmem>> -> memref<128xi32, #tpu.memory_space<vmem>>
    %dma_start3A_179 = arith.constant 0 : i32
    %dma_start3A_180 = arith.constant 0 : i32
    %dma_start3A_181 = tpu.memref_slice %arg3[%dma_start3A_179, %dma_start3A_180] : memref<1015808x64xf32, #tpu.memory_space<hbm>> -> memref<1015808x64xf32, #tpu.memory_space<hbm>>
    tpu.enqueue_indirect_dma source(%dma_start3A_181 : memref<1015808x64xf32, #tpu.memory_space<hbm>>) target(%dma_start3A_175 : memref<128x64xf32, #tpu.memory_space<vmem>>) offsets(%dma_start3A_178 : memref<128xi32, #tpu.memory_space<vmem>>) semaphore(%arg7 : memref<!tpu.dma_semaphore, #tpu.memory_space<semaphore_mem>>)
    %dma_start3A_182 = arith.constant 6 : i32
    %dma_start3A_183 = arith.constant 1 : i32
    %dma_start3A_184 = arith.constant 128 : i32
    %dma_start3A_185 = arith.constant 0 : i32
    %dma_start3A_186 = tpu.memref_slice %arg6[%dma_start3A_183, %dma_start3A_184, %dma_start3A_185] : memref<2x640x64xf32, #tpu.memory_space<vmem>> -> memref<1x128x64xf32, #tpu.memory_space<vmem>>
    %dma_start3A_187 = tpu.memref_squeeze %dma_start3A_186 : memref<1x128x64xf32, #tpu.memory_space<vmem>> -> memref<128x64xf32, #tpu.memory_space<vmem>>
    %dma_start3A_188 = arith.constant 0 : i32
    %dma_start3A_189 = tpu.memref_slice %arg5[%dma_start3A_182, %dma_start3A_188] : memref<200x128xi32, #tpu.memory_space<vmem>> -> memref<1x128xi32, #tpu.memory_space<vmem>>
    %dma_start3A_190 = tpu.memref_squeeze %dma_start3A_189 : memref<1x128xi32, #tpu.memory_space<vmem>> -> memref<128xi32, #tpu.memory_space<vmem>>
    %dma_start3A_191 = arith.constant 0 : i32
    %dma_start3A_192 = arith.constant 0 : i32
    %dma_start3A_193 = tpu.memref_slice %arg3[%dma_start3A_191, %dma_start3A_192] : memref<1015808x64xf32, #tpu.memory_space<hbm>> -> memref<1015808x64xf32, #tpu.memory_space<hbm>>
    tpu.enqueue_indirect_dma source(%dma_start3A_193 : memref<1015808x64xf32, #tpu.memory_space<hbm>>) target(%dma_start3A_187 : memref<128x64xf32, #tpu.memory_space<vmem>>) offsets(%dma_start3A_190 : memref<128xi32, #tpu.memory_space<vmem>>) semaphore(%arg7 : memref<!tpu.dma_semaphore, #tpu.memory_space<semaphore_mem>>)
    %dma_start3A_194 = arith.constant 7 : i32
    %dma_start3A_195 = arith.constant 1 : i32
    %dma_start3A_196 = arith.constant 256 : i32
    %dma_start3A_197 = arith.constant 0 : i32
    %dma_start3A_198 = tpu.memref_slice %arg6[%dma_start3A_195, %dma_start3A_196, %dma_start3A_197] : memref<2x640x64xf32, #tpu.memory_space<vmem>> -> memref<1x128x64xf32, #tpu.memory_space<vmem>>
    %dma_start3A_199 = tpu.memref_squeeze %dma_start3A_198 : memref<1x128x64xf32, #tpu.memory_space<vmem>> -> memref<128x64xf32, #tpu.memory_space<vmem>>
    %dma_start3A_200 = arith.constant 0 : i32
    %dma_start3A_201 = tpu.memref_slice %arg5[%dma_start3A_194, %dma_start3A_200] : memref<200x128xi32, #tpu.memory_space<vmem>> -> memref<1x128xi32, #tpu.memory_space<vmem>>
    %dma_start3A_202 = tpu.memref_squeeze %dma_start3A_201 : memref<1x128xi32, #tpu.memory_space<vmem>> -> memref<128xi32, #tpu.memory_space<vmem>>
    %dma_start3A_203 = arith.constant 0 : i32
    %dma_start3A_204 = arith.constant 0 : i32
    %dma_start3A_205 = tpu.memref_slice %arg3[%dma_start3A_203, %dma_start3A_204] : memref<1015808x64xf32, #tpu.memory_space<hbm>> -> memref<1015808x64xf32, #tpu.memory_space<hbm>>
    tpu.enqueue_indirect_dma source(%dma_start3A_205 : memref<1015808x64xf32, #tpu.memory_space<hbm>>) target(%dma_start3A_199 : memref<128x64xf32, #tpu.memory_space<vmem>>) offsets(%dma_start3A_202 : memref<128xi32, #tpu.memory_space<vmem>>) semaphore(%arg7 : memref<!tpu.dma_semaphore, #tpu.memory_space<semaphore_mem>>)
    %dma_start3A_206 = arith.constant 8 : i32
    %dma_start3A_207 = arith.constant 1 : i32
    %dma_start3A_208 = arith.constant 384 : i32
    %dma_start3A_209 = arith.constant 0 : i32
    %dma_start3A_210 = tpu.memref_slice %arg6[%dma_start3A_207, %dma_start3A_208, %dma_start3A_209] : memref<2x640x64xf32, #tpu.memory_space<vmem>> -> memref<1x128x64xf32, #tpu.memory_space<vmem>>
    %dma_start3A_211 = tpu.memref_squeeze %dma_start3A_210 : memref<1x128x64xf32, #tpu.memory_space<vmem>> -> memref<128x64xf32, #tpu.memory_space<vmem>>
    %dma_start3A_212 = arith.constant 0 : i32
    %dma_start3A_213 = tpu.memref_slice %arg5[%dma_start3A_206, %dma_start3A_212] : memref<200x128xi32, #tpu.memory_space<vmem>> -> memref<1x128xi32, #tpu.memory_space<vmem>>
    %dma_start3A_214 = tpu.memref_squeeze %dma_start3A_213 : memref<1x128xi32, #tpu.memory_space<vmem>> -> memref<128xi32, #tpu.memory_space<vmem>>
    %dma_start3A_215 = arith.constant 0 : i32
    %dma_start3A_216 = arith.constant 0 : i32
    %dma_start3A_217 = tpu.memref_slice %arg3[%dma_start3A_215, %dma_start3A_216] : memref<1015808x64xf32, #tpu.memory_space<hbm>> -> memref<1015808x64xf32, #tpu.memory_space<hbm>>
    tpu.enqueue_indirect_dma source(%dma_start3A_217 : memref<1015808x64xf32, #tpu.memory_space<hbm>>) target(%dma_start3A_211 : memref<128x64xf32, #tpu.memory_space<vmem>>) offsets(%dma_start3A_214 : memref<128xi32, #tpu.memory_space<vmem>>) semaphore(%arg7 : memref<!tpu.dma_semaphore, #tpu.memory_space<semaphore_mem>>)
    %dma_start3A_218 = arith.constant 9 : i32
    %dma_start3A_219 = arith.constant 1 : i32
    %dma_start3A_220 = arith.constant 512 : i32
    %dma_start3A_221 = arith.constant 0 : i32
    %dma_start3A_222 = tpu.memref_slice %arg6[%dma_start3A_219, %dma_start3A_220, %dma_start3A_221] : memref<2x640x64xf32, #tpu.memory_space<vmem>> -> memref<1x128x64xf32, #tpu.memory_space<vmem>>
    %dma_start3A_223 = tpu.memref_squeeze %dma_start3A_222 : memref<1x128x64xf32, #tpu.memory_space<vmem>> -> memref<128x64xf32, #tpu.memory_space<vmem>>
    %dma_start3A_224 = arith.constant 0 : i32
    %dma_start3A_225 = tpu.memref_slice %arg5[%dma_start3A_218, %dma_start3A_224] : memref<200x128xi32, #tpu.memory_space<vmem>> -> memref<1x128xi32, #tpu.memory_space<vmem>>
    %dma_start3A_226 = tpu.memref_squeeze %dma_start3A_225 : memref<1x128xi32, #tpu.memory_space<vmem>> -> memref<128xi32, #tpu.memory_space<vmem>>
    %dma_start3A_227 = arith.constant 0 : i32
    %dma_start3A_228 = arith.constant 0 : i32
    %dma_start3A_229 = tpu.memref_slice %arg3[%dma_start3A_227, %dma_start3A_228] : memref<1015808x64xf32, #tpu.memory_space<hbm>> -> memref<1015808x64xf32, #tpu.memory_space<hbm>>
    tpu.enqueue_indirect_dma source(%dma_start3A_229 : memref<1015808x64xf32, #tpu.memory_space<hbm>>) target(%dma_start3A_223 : memref<128x64xf32, #tpu.memory_space<vmem>>) offsets(%dma_start3A_226 : memref<128xi32, #tpu.memory_space<vmem>>) semaphore(%arg7 : memref<!tpu.dma_semaphore, #tpu.memory_space<semaphore_mem>>)
    %scan3A = arith.constant 0 : i32
    %scan3A_230 = arith.constant 1 : i32
    %scan3A_231 = arith.constant 38 : i32
    %scan3A_232 = arith.addi %scan3A_230, %scan3A_231 : i32
    %scan3A_233 = arith.constant 1 : i32
    scf.for %scan3A_472 = %scan3A_230 to %scan3A_232 step %scan3A_233  : i32 {
      %rem3A_473 = arith.constant 2 : i32
      %rem3A_474 = arith.remsi %scan3A_472, %rem3A_473 : i32
      %mul3A_475 = arith.constant 5 : i32
      %mul3A_476 = arith.muli %scan3A_472, %mul3A_475 : i32
      %add3A_477 = arith.constant 0 : i32
      %add3A_478 = arith.addi %mul3A_476, %add3A_477 : i32
      %dma_wait3A_479 = arith.constant 0 : i32
      %dma_wait3A_480 = arith.constant 0 : i32
      %dma_wait3A_481 = tpu.memref_slice %arg6[%rem3A_474, %dma_wait3A_479, %dma_wait3A_480] : memref<2x640x64xf32, #tpu.memory_space<vmem>> -> memref<1x128x64xf32, #tpu.memory_space<vmem>>
      %dma_wait3A_482 = tpu.memref_squeeze %dma_wait3A_481 : memref<1x128x64xf32, #tpu.memory_space<vmem>> -> memref<128x64xf32, #tpu.memory_space<vmem>>
      %dma_wait3A_483 = arith.constant 0 : i32
      %dma_wait3A_484 = tpu.memref_slice %arg5[%add3A_478, %dma_wait3A_483] : memref<200x128xi32, #tpu.memory_space<vmem>> -> memref<1x128xi32, #tpu.memory_space<vmem>>
      %dma_wait3A_485 = tpu.memref_squeeze %dma_wait3A_484 : memref<1x128xi32, #tpu.memory_space<vmem>> -> memref<128xi32, #tpu.memory_space<vmem>>
      %dma_wait3A_486 = arith.constant 0 : i32
      %dma_wait3A_487 = arith.constant 0 : i32
      %dma_wait3A_488 = tpu.memref_slice %arg3[%dma_wait3A_486, %dma_wait3A_487] : memref<1015808x64xf32, #tpu.memory_space<hbm>> -> memref<1015808x64xf32, #tpu.memory_space<hbm>>
      tpu.wait_indirect_dma semaphore(%arg7 : memref<!tpu.dma_semaphore, #tpu.memory_space<semaphore_mem>>) src(%dma_wait3A_488 : memref<1015808x64xf32, #tpu.memory_space<hbm>>) dst(%dma_wait3A_482 : memref<128x64xf32, #tpu.memory_space<vmem>>)
      %mul3A_489 = arith.constant 5 : i32
      %mul3A_490 = arith.muli %scan3A_472, %mul3A_489 : i32
      %add3A_491 = arith.constant 1 : i32
      %add3A_492 = arith.addi %mul3A_490, %add3A_491 : i32
      %dma_wait3A_493 = arith.constant 128 : i32
      %dma_wait3A_494 = arith.constant 0 : i32
      %dma_wait3A_495 = tpu.memref_slice %arg6[%rem3A_474, %dma_wait3A_493, %dma_wait3A_494] : memref<2x640x64xf32, #tpu.memory_space<vmem>> -> memref<1x128x64xf32, #tpu.memory_space<vmem>>
      %dma_wait3A_496 = tpu.memref_squeeze %dma_wait3A_495 : memref<1x128x64xf32, #tpu.memory_space<vmem>> -> memref<128x64xf32, #tpu.memory_space<vmem>>
      %dma_wait3A_497 = arith.constant 0 : i32
      %dma_wait3A_498 = tpu.memref_slice %arg5[%add3A_492, %dma_wait3A_497] : memref<200x128xi32, #tpu.memory_space<vmem>> -> memref<1x128xi32, #tpu.memory_space<vmem>>
      %dma_wait3A_499 = tpu.memref_squeeze %dma_wait3A_498 : memref<1x128xi32, #tpu.memory_space<vmem>> -> memref<128xi32, #tpu.memory_space<vmem>>
      %dma_wait3A_500 = arith.constant 0 : i32
      %dma_wait3A_501 = arith.constant 0 : i32
      %dma_wait3A_502 = tpu.memref_slice %arg3[%dma_wait3A_500, %dma_wait3A_501] : memref<1015808x64xf32, #tpu.memory_space<hbm>> -> memref<1015808x64xf32, #tpu.memory_space<hbm>>
      tpu.wait_indirect_dma semaphore(%arg7 : memref<!tpu.dma_semaphore, #tpu.memory_space<semaphore_mem>>) src(%dma_wait3A_502 : memref<1015808x64xf32, #tpu.memory_space<hbm>>) dst(%dma_wait3A_496 : memref<128x64xf32, #tpu.memory_space<vmem>>)
      %mul3A_503 = arith.constant 5 : i32
      %mul3A_504 = arith.muli %scan3A_472, %mul3A_503 : i32
      %add3A_505 = arith.constant 2 : i32
      %add3A_506 = arith.addi %mul3A_504, %add3A_505 : i32
      %dma_wait3A_507 = arith.constant 256 : i32
      %dma_wait3A_508 = arith.constant 0 : i32
      %dma_wait3A_509 = tpu.memref_slice %arg6[%rem3A_474, %dma_wait3A_507, %dma_wait3A_508] : memref<2x640x64xf32, #tpu.memory_space<vmem>> -> memref<1x128x64xf32, #tpu.memory_space<vmem>>
      %dma_wait3A_510 = tpu.memref_squeeze %dma_wait3A_509 : memref<1x128x64xf32, #tpu.memory_space<vmem>> -> memref<128x64xf32, #tpu.memory_space<vmem>>
      %dma_wait3A_511 = arith.constant 0 : i32
      %dma_wait3A_512 = tpu.memref_slice %arg5[%add3A_506, %dma_wait3A_511] : memref<200x128xi32, #tpu.memory_space<vmem>> -> memref<1x128xi32, #tpu.memory_space<vmem>>
      %dma_wait3A_513 = tpu.memref_squeeze %dma_wait3A_512 : memref<1x128xi32, #tpu.memory_space<vmem>> -> memref<128xi32, #tpu.memory_space<vmem>>
      %dma_wait3A_514 = arith.constant 0 : i32
      %dma_wait3A_515 = arith.constant 0 : i32
      %dma_wait3A_516 = tpu.memref_slice %arg3[%dma_wait3A_514, %dma_wait3A_515] : memref<1015808x64xf32, #tpu.memory_space<hbm>> -> memref<1015808x64xf32, #tpu.memory_space<hbm>>
      tpu.wait_indirect_dma semaphore(%arg7 : memref<!tpu.dma_semaphore, #tpu.memory_space<semaphore_mem>>) src(%dma_wait3A_516 : memref<1015808x64xf32, #tpu.memory_space<hbm>>) dst(%dma_wait3A_510 : memref<128x64xf32, #tpu.memory_space<vmem>>)
      %mul3A_517 = arith.constant 5 : i32
      %mul3A_518 = arith.muli %scan3A_472, %mul3A_517 : i32
      %add3A_519 = arith.constant 3 : i32
      %add3A_520 = arith.addi %mul3A_518, %add3A_519 : i32
      %dma_wait3A_521 = arith.constant 384 : i32
      %dma_wait3A_522 = arith.constant 0 : i32
      %dma_wait3A_523 = tpu.memref_slice %arg6[%rem3A_474, %dma_wait3A_521, %dma_wait3A_522] : memref<2x640x64xf32, #tpu.memory_space<vmem>> -> memref<1x128x64xf32, #tpu.memory_space<vmem>>
      %dma_wait3A_524 = tpu.memref_squeeze %dma_wait3A_523 : memref<1x128x64xf32, #tpu.memory_space<vmem>> -> memref<128x64xf32, #tpu.memory_space<vmem>>
      %dma_wait3A_525 = arith.constant 0 : i32
      %dma_wait3A_526 = tpu.memref_slice %arg5[%add3A_520, %dma_wait3A_525] : memref<200x128xi32, #tpu.memory_space<vmem>> -> memref<1x128xi32, #tpu.memory_space<vmem>>
      %dma_wait3A_527 = tpu.memref_squeeze %dma_wait3A_526 : memref<1x128xi32, #tpu.memory_space<vmem>> -> memref<128xi32, #tpu.memory_space<vmem>>
      %dma_wait3A_528 = arith.constant 0 : i32
      %dma_wait3A_529 = arith.constant 0 : i32
      %dma_wait3A_530 = tpu.memref_slice %arg3[%dma_wait3A_528, %dma_wait3A_529] : memref<1015808x64xf32, #tpu.memory_space<hbm>> -> memref<1015808x64xf32, #tpu.memory_space<hbm>>
      tpu.wait_indirect_dma semaphore(%arg7 : memref<!tpu.dma_semaphore, #tpu.memory_space<semaphore_mem>>) src(%dma_wait3A_530 : memref<1015808x64xf32, #tpu.memory_space<hbm>>) dst(%dma_wait3A_524 : memref<128x64xf32, #tpu.memory_space<vmem>>)
      %mul3A_531 = arith.constant 5 : i32
      %mul3A_532 = arith.muli %scan3A_472, %mul3A_531 : i32
      %add3A_533 = arith.constant 4 : i32
      %add3A_534 = arith.addi %mul3A_532, %add3A_533 : i32
      %dma_wait3A_535 = arith.constant 512 : i32
      %dma_wait3A_536 = arith.constant 0 : i32
      %dma_wait3A_537 = tpu.memref_slice %arg6[%rem3A_474, %dma_wait3A_535, %dma_wait3A_536] : memref<2x640x64xf32, #tpu.memory_space<vmem>> -> memref<1x128x64xf32, #tpu.memory_space<vmem>>
      %dma_wait3A_538 = tpu.memref_squeeze %dma_wait3A_537 : memref<1x128x64xf32, #tpu.memory_space<vmem>> -> memref<128x64xf32, #tpu.memory_space<vmem>>
      %dma_wait3A_539 = arith.constant 0 : i32
      %dma_wait3A_540 = tpu.memref_slice %arg5[%add3A_534, %dma_wait3A_539] : memref<200x128xi32, #tpu.memory_space<vmem>> -> memref<1x128xi32, #tpu.memory_space<vmem>>
      %dma_wait3A_541 = tpu.memref_squeeze %dma_wait3A_540 : memref<1x128xi32, #tpu.memory_space<vmem>> -> memref<128xi32, #tpu.memory_space<vmem>>
      %dma_wait3A_542 = arith.constant 0 : i32
      %dma_wait3A_543 = arith.constant 0 : i32
      %dma_wait3A_544 = tpu.memref_slice %arg3[%dma_wait3A_542, %dma_wait3A_543] : memref<1015808x64xf32, #tpu.memory_space<hbm>> -> memref<1015808x64xf32, #tpu.memory_space<hbm>>
      tpu.wait_indirect_dma semaphore(%arg7 : memref<!tpu.dma_semaphore, #tpu.memory_space<semaphore_mem>>) src(%dma_wait3A_544 : memref<1015808x64xf32, #tpu.memory_space<hbm>>) dst(%dma_wait3A_538 : memref<128x64xf32, #tpu.memory_space<vmem>>)
      %mul3A_545 = arith.constant 5 : i32
      %mul3A_546 = arith.muli %scan3A_472, %mul3A_545 : i32
      %add3A_547 = arith.addi %mul3A_2, %mul3A_546 : i32
      %mul3A_548 = arith.constant 128 : i32
      %mul3A_549 = arith.muli %add3A_547, %mul3A_548 : i32
      %jit3A_550 = arith.constant 4096 : i32
      %div3A_551 = arith.divsi %mul3A_549, %jit3A_550 : i32
      %sign3A_552 = arith.constant 0 : i32
      %sign3A_553 = arith.cmpi sgt, %mul3A_549, %sign3A_552 : i32
      %sign3A_554 = arith.extui %sign3A_553 : i1 to i32
      %sign3A_555 = arith.constant 0 : i32
      %sign3A_556 = arith.cmpi slt, %mul3A_549, %sign3A_555 : i32
      %sign3A_557 = arith.extui %sign3A_556 : i1 to i32
      %sign3A_558 = arith.subi %sign3A_554, %sign3A_557 : i32
      %sign3A_559 = arith.constant 0 : i32
      %sign3A_560 = arith.cmpi sgt, %jit3A_550, %sign3A_559 : i32
      %sign3A_561 = arith.extui %sign3A_560 : i1 to i32
      %sign3A_562 = arith.constant 0 : i32
      %sign3A_563 = arith.cmpi slt, %jit3A_550, %sign3A_562 : i32
      %sign3A_564 = arith.extui %sign3A_563 : i1 to i32
      %sign3A_565 = arith.subi %sign3A_561, %sign3A_564 : i32
      %ne3A_566 = arith.cmpi ne, %sign3A_558, %sign3A_565 : i32
      %rem3A_567 = arith.remsi %mul3A_549, %jit3A_550 : i32
      %ne3A_568 = arith.constant 0 : i32
      %ne3A_569 = arith.cmpi ne, %rem3A_567, %ne3A_568 : i32
      %and3A_570 = arith.andi %ne3A_566, %ne3A_569 : i1
      %sub3A_571 = arith.constant 1 : i32
      %sub3A_572 = arith.subi %div3A_551, %sub3A_571 : i32
      %select_n3A_573 = arith.select %and3A_570, %sub3A_572, %div3A_551 : i32
      %jit3A_574 = arith.constant 4096 : i32
      %eq3A_575 = arith.constant 0 : i32
      %eq3A_576 = arith.cmpi eq, %jit3A_574, %eq3A_575 : i32
      %jit3A_577 = arith.constant 1 : i32
      %select_n3A_578 = arith.select %eq3A_576, %jit3A_577, %jit3A_574 : i32
      %rem3A_579 = arith.remsi %mul3A_549, %select_n3A_578 : i32
      %ne3A_580 = arith.constant 0 : i32
      %ne3A_581 = arith.cmpi ne, %rem3A_579, %ne3A_580 : i32
      %lt3A_582 = arith.constant 0 : i32
      %lt3A_583 = arith.cmpi slt, %rem3A_579, %lt3A_582 : i32
      %lt3A_584 = arith.constant 0 : i32
      %lt3A_585 = arith.cmpi slt, %select_n3A_578, %lt3A_584 : i32
      %ne3A_586 = arith.xori %lt3A_583, %lt3A_585 : i1
      %and3A_587 = arith.andi %ne3A_586, %ne3A_581 : i1
      %add3A_588 = arith.addi %rem3A_579, %select_n3A_578 : i32
      %select_n3A_589 = arith.select %and3A_587, %add3A_588, %rem3A_579 : i32
      %dma_start3A_590 = arith.constant 0 : i32
      %dma_start3A_591 = arith.constant 0 : i32
      %dma_start3A_592 = tpu.memref_slice %arg6[%rem3A_474, %dma_start3A_590, %dma_start3A_591] : memref<2x640x64xf32, #tpu.memory_space<vmem>> -> memref<1x640x64xf32, #tpu.memory_space<vmem>>
      %dma_start3A_593 = tpu.memref_squeeze %dma_start3A_592 : memref<1x640x64xf32, #tpu.memory_space<vmem>> -> memref<640x64xf32, #tpu.memory_space<vmem>>
      %dma_start3A_594 = arith.constant 0 : i32
      %dma_start3A_595 = tpu.memref_slice %arg4[%select_n3A_573, %select_n3A_589, %dma_start3A_594] : memref<200x4096x128xf32, #tpu.memory_space<hbm>> -> memref<1x640x64xf32, #tpu.memory_space<hbm>>
      %dma_start3A_596 = tpu.memref_squeeze %dma_start3A_595 : memref<1x640x64xf32, #tpu.memory_space<hbm>> -> memref<640x64xf32, #tpu.memory_space<hbm>>
      %dma_start3A_597 = arith.constant 0 : i32
      %dma_start3A_598 = tpu.memref_slice %arg4[%select_n3A_573, %select_n3A_589, %dma_start3A_597] : memref<200x4096x128xf32, #tpu.memory_space<hbm>> -> memref<1x640x64xf32, #tpu.memory_space<hbm>>
      %dma_start3A_599 = tpu.memref_squeeze %dma_start3A_598 : memref<1x640x64xf32, #tpu.memory_space<hbm>> -> memref<640x64xf32, #tpu.memory_space<hbm>>
      %dma_start3A_600 = arith.constant 0 : i32
      %dma_start3A_601 = arith.constant 0 : i32
      %dma_start3A_602 = tpu.memref_slice %arg6[%rem3A_474, %dma_start3A_600, %dma_start3A_601] : memref<2x640x64xf32, #tpu.memory_space<vmem>> -> memref<1x640x64xf32, #tpu.memory_space<vmem>>
      %dma_start3A_603 = tpu.memref_squeeze %dma_start3A_602 : memref<1x640x64xf32, #tpu.memory_space<vmem>> -> memref<640x64xf32, #tpu.memory_space<vmem>>
      tpu.enqueue_dma source(%dma_start3A_603 : memref<640x64xf32, #tpu.memory_space<vmem>>) target(%dma_start3A_599 : memref<640x64xf32, #tpu.memory_space<hbm>>) target_semaphore(%arg8 : memref<!tpu.dma_semaphore, #tpu.memory_space<semaphore_mem>>)
      %sub3A_604 = arith.constant 1 : i32
      %sub3A_605 = arith.subi %scan3A_472, %sub3A_604 : i32
      %sub3A_606 = arith.constant 1 : i32
      %sub3A_607 = arith.subi %sub3A_606, %rem3A_474 : i32
      %mul3A_608 = arith.constant 5 : i32
      %mul3A_609 = arith.muli %sub3A_605, %mul3A_608 : i32
      %add3A_610 = arith.addi %mul3A_2, %mul3A_609 : i32
      %mul3A_611 = arith.constant 128 : i32
      %mul3A_612 = arith.muli %add3A_610, %mul3A_611 : i32
      %jit3A_613 = arith.constant 4096 : i32
      %div3A_614 = arith.divsi %mul3A_612, %jit3A_613 : i32
      %sign3A_615 = arith.constant 0 : i32
      %sign3A_616 = arith.cmpi sgt, %mul3A_612, %sign3A_615 : i32
      %sign3A_617 = arith.extui %sign3A_616 : i1 to i32
      %sign3A_618 = arith.constant 0 : i32
      %sign3A_619 = arith.cmpi slt, %mul3A_612, %sign3A_618 : i32
      %sign3A_620 = arith.extui %sign3A_619 : i1 to i32
      %sign3A_621 = arith.subi %sign3A_617, %sign3A_620 : i32
      %sign3A_622 = arith.constant 0 : i32
      %sign3A_623 = arith.cmpi sgt, %jit3A_613, %sign3A_622 : i32
      %sign3A_624 = arith.extui %sign3A_623 : i1 to i32
      %sign3A_625 = arith.constant 0 : i32
      %sign3A_626 = arith.cmpi slt, %jit3A_613, %sign3A_625 : i32
      %sign3A_627 = arith.extui %sign3A_626 : i1 to i32
      %sign3A_628 = arith.subi %sign3A_624, %sign3A_627 : i32
      %ne3A_629 = arith.cmpi ne, %sign3A_621, %sign3A_628 : i32
      %rem3A_630 = arith.remsi %mul3A_612, %jit3A_613 : i32
      %ne3A_631 = arith.constant 0 : i32
      %ne3A_632 = arith.cmpi ne, %rem3A_630, %ne3A_631 : i32
      %and3A_633 = arith.andi %ne3A_629, %ne3A_632 : i1
      %sub3A_634 = arith.constant 1 : i32
      %sub3A_635 = arith.subi %div3A_614, %sub3A_634 : i32
      %select_n3A_636 = arith.select %and3A_633, %sub3A_635, %div3A_614 : i32
      %jit3A_637 = arith.constant 4096 : i32
      %eq3A_638 = arith.constant 0 : i32
      %eq3A_639 = arith.cmpi eq, %jit3A_637, %eq3A_638 : i32
      %jit3A_640 = arith.constant 1 : i32
      %select_n3A_641 = arith.select %eq3A_639, %jit3A_640, %jit3A_637 : i32
      %rem3A_642 = arith.remsi %mul3A_612, %select_n3A_641 : i32
      %ne3A_643 = arith.constant 0 : i32
      %ne3A_644 = arith.cmpi ne, %rem3A_642, %ne3A_643 : i32
      %lt3A_645 = arith.constant 0 : i32
      %lt3A_646 = arith.cmpi slt, %rem3A_642, %lt3A_645 : i32
      %lt3A_647 = arith.constant 0 : i32
      %lt3A_648 = arith.cmpi slt, %select_n3A_641, %lt3A_647 : i32
      %ne3A_649 = arith.xori %lt3A_646, %lt3A_648 : i1
      %and3A_650 = arith.andi %ne3A_649, %ne3A_644 : i1
      %add3A_651 = arith.addi %rem3A_642, %select_n3A_641 : i32
      %select_n3A_652 = arith.select %and3A_650, %add3A_651, %rem3A_642 : i32
      %dma_wait3A_653 = arith.constant 0 : i32
      %dma_wait3A_654 = arith.constant 0 : i32
      %dma_wait3A_655 = tpu.memref_slice %arg6[%sub3A_607, %dma_wait3A_653, %dma_wait3A_654] : memref<2x640x64xf32, #tpu.memory_space<vmem>> -> memref<1x640x64xf32, #tpu.memory_space<vmem>>
      %dma_wait3A_656 = tpu.memref_squeeze %dma_wait3A_655 : memref<1x640x64xf32, #tpu.memory_space<vmem>> -> memref<640x64xf32, #tpu.memory_space<vmem>>
      %dma_wait3A_657 = arith.constant 0 : i32
      %dma_wait3A_658 = tpu.memref_slice %arg4[%select_n3A_636, %select_n3A_652, %dma_wait3A_657] : memref<200x4096x128xf32, #tpu.memory_space<hbm>> -> memref<1x640x64xf32, #tpu.memory_space<hbm>>
      %dma_wait3A_659 = tpu.memref_squeeze %dma_wait3A_658 : memref<1x640x64xf32, #tpu.memory_space<hbm>> -> memref<640x64xf32, #tpu.memory_space<hbm>>
      %dma_wait3A_660 = arith.constant 0 : i32
      %dma_wait3A_661 = tpu.memref_slice %arg4[%select_n3A_636, %select_n3A_652, %dma_wait3A_660] : memref<200x4096x128xf32, #tpu.memory_space<hbm>> -> memref<1x640x64xf32, #tpu.memory_space<hbm>>
      %dma_wait3A_662 = tpu.memref_squeeze %dma_wait3A_661 : memref<1x640x64xf32, #tpu.memory_space<hbm>> -> memref<640x64xf32, #tpu.memory_space<hbm>>
      %dma_wait3A_663 = arith.constant 0 : i32
      %dma_wait3A_664 = arith.constant 0 : i32
      %dma_wait3A_665 = tpu.memref_slice %arg6[%sub3A_607, %dma_wait3A_663, %dma_wait3A_664] : memref<2x640x64xf32, #tpu.memory_space<vmem>> -> memref<1x640x64xf32, #tpu.memory_space<vmem>>
      %dma_wait3A_666 = tpu.memref_squeeze %dma_wait3A_665 : memref<1x640x64xf32, #tpu.memory_space<vmem>> -> memref<640x64xf32, #tpu.memory_space<vmem>>
      tpu.wait_dma2 semaphore(%arg8 : memref<!tpu.dma_semaphore, #tpu.memory_space<semaphore_mem>>) src(%dma_wait3A_666 : memref<640x64xf32, #tpu.memory_space<vmem>>) dst(%dma_wait3A_662 : memref<640x64xf32, #tpu.memory_space<hbm>>)
      %add3A_667 = arith.constant 1 : i32
      %add3A_668 = arith.addi %scan3A_472, %add3A_667 : i32
      %sub3A_669 = arith.constant 1 : i32
      %sub3A_670 = arith.subi %sub3A_669, %rem3A_474 : i32
      %mul3A_671 = arith.constant 5 : i32
      %mul3A_672 = arith.muli %add3A_668, %mul3A_671 : i32
      %add3A_673 = arith.constant 0 : i32
      %add3A_674 = arith.addi %mul3A_672, %add3A_673 : i32
      %dma_start3A_675 = arith.constant 0 : i32
      %dma_start3A_676 = arith.constant 0 : i32
      %dma_start3A_677 = tpu.memref_slice %arg6[%sub3A_670, %dma_start3A_675, %dma_start3A_676] : memref<2x640x64xf32, #tpu.memory_space<vmem>> -> memref<1x128x64xf32, #tpu.memory_space<vmem>>
      %dma_start3A_678 = tpu.memref_squeeze %dma_start3A_677 : memref<1x128x64xf32, #tpu.memory_space<vmem>> -> memref<128x64xf32, #tpu.memory_space<vmem>>
      %dma_start3A_679 = arith.constant 0 : i32
      %dma_start3A_680 = tpu.memref_slice %arg5[%add3A_674, %dma_start3A_679] : memref<200x128xi32, #tpu.memory_space<vmem>> -> memref<1x128xi32, #tpu.memory_space<vmem>>
      %dma_start3A_681 = tpu.memref_squeeze %dma_start3A_680 : memref<1x128xi32, #tpu.memory_space<vmem>> -> memref<128xi32, #tpu.memory_space<vmem>>
      %dma_start3A_682 = arith.constant 0 : i32
      %dma_start3A_683 = arith.constant 0 : i32
      %dma_start3A_684 = tpu.memref_slice %arg3[%dma_start3A_682, %dma_start3A_683] : memref<1015808x64xf32, #tpu.memory_space<hbm>> -> memref<1015808x64xf32, #tpu.memory_space<hbm>>
      tpu.enqueue_indirect_dma source(%dma_start3A_684 : memref<1015808x64xf32, #tpu.memory_space<hbm>>) target(%dma_start3A_678 : memref<128x64xf32, #tpu.memory_space<vmem>>) offsets(%dma_start3A_681 : memref<128xi32, #tpu.memory_space<vmem>>) semaphore(%arg7 : memref<!tpu.dma_semaphore, #tpu.memory_space<semaphore_mem>>)
      %mul3A_685 = arith.constant 5 : i32
      %mul3A_686 = arith.muli %add3A_668, %mul3A_685 : i32
      %add3A_687 = arith.constant 1 : i32
      %add3A_688 = arith.addi %mul3A_686, %add3A_687 : i32
      %dma_start3A_689 = arith.constant 128 : i32
      %dma_start3A_690 = arith.constant 0 : i32
      %dma_start3A_691 = tpu.memref_slice %arg6[%sub3A_670, %dma_start3A_689, %dma_start3A_690] : memref<2x640x64xf32, #tpu.memory_space<vmem>> -> memref<1x128x64xf32, #tpu.memory_space<vmem>>
      %dma_start3A_692 = tpu.memref_squeeze %dma_start3A_691 : memref<1x128x64xf32, #tpu.memory_space<vmem>> -> memref<128x64xf32, #tpu.memory_space<vmem>>
      %dma_start3A_693 = arith.constant 0 : i32
      %dma_start3A_694 = tpu.memref_slice %arg5[%add3A_688, %dma_start3A_693] : memref<200x128xi32, #tpu.memory_space<vmem>> -> memref<1x128xi32, #tpu.memory_space<vmem>>
      %dma_start3A_695 = tpu.memref_squeeze %dma_start3A_694 : memref<1x128xi32, #tpu.memory_space<vmem>> -> memref<128xi32, #tpu.memory_space<vmem>>
      %dma_start3A_696 = arith.constant 0 : i32
      %dma_start3A_697 = arith.constant 0 : i32
      %dma_start3A_698 = tpu.memref_slice %arg3[%dma_start3A_696, %dma_start3A_697] : memref<1015808x64xf32, #tpu.memory_space<hbm>> -> memref<1015808x64xf32, #tpu.memory_space<hbm>>
      tpu.enqueue_indirect_dma source(%dma_start3A_698 : memref<1015808x64xf32, #tpu.memory_space<hbm>>) target(%dma_start3A_692 : memref<128x64xf32, #tpu.memory_space<vmem>>) offsets(%dma_start3A_695 : memref<128xi32, #tpu.memory_space<vmem>>) semaphore(%arg7 : memref<!tpu.dma_semaphore, #tpu.memory_space<semaphore_mem>>)
      %mul3A_699 = arith.constant 5 : i32
      %mul3A_700 = arith.muli %add3A_668, %mul3A_699 : i32
      %add3A_701 = arith.constant 2 : i32
      %add3A_702 = arith.addi %mul3A_700, %add3A_701 : i32
      %dma_start3A_703 = arith.constant 256 : i32
      %dma_start3A_704 = arith.constant 0 : i32
      %dma_start3A_705 = tpu.memref_slice %arg6[%sub3A_670, %dma_start3A_703, %dma_start3A_704] : memref<2x640x64xf32, #tpu.memory_space<vmem>> -> memref<1x128x64xf32, #tpu.memory_space<vmem>>
      %dma_start3A_706 = tpu.memref_squeeze %dma_start3A_705 : memref<1x128x64xf32, #tpu.memory_space<vmem>> -> memref<128x64xf32, #tpu.memory_space<vmem>>
      %dma_start3A_707 = arith.constant 0 : i32
      %dma_start3A_708 = tpu.memref_slice %arg5[%add3A_702, %dma_start3A_707] : memref<200x128xi32, #tpu.memory_space<vmem>> -> memref<1x128xi32, #tpu.memory_space<vmem>>
      %dma_start3A_709 = tpu.memref_squeeze %dma_start3A_708 : memref<1x128xi32, #tpu.memory_space<vmem>> -> memref<128xi32, #tpu.memory_space<vmem>>
      %dma_start3A_710 = arith.constant 0 : i32
      %dma_start3A_711 = arith.constant 0 : i32
      %dma_start3A_712 = tpu.memref_slice %arg3[%dma_start3A_710, %dma_start3A_711] : memref<1015808x64xf32, #tpu.memory_space<hbm>> -> memref<1015808x64xf32, #tpu.memory_space<hbm>>
      tpu.enqueue_indirect_dma source(%dma_start3A_712 : memref<1015808x64xf32, #tpu.memory_space<hbm>>) target(%dma_start3A_706 : memref<128x64xf32, #tpu.memory_space<vmem>>) offsets(%dma_start3A_709 : memref<128xi32, #tpu.memory_space<vmem>>) semaphore(%arg7 : memref<!tpu.dma_semaphore, #tpu.memory_space<semaphore_mem>>)
      %mul3A_713 = arith.constant 5 : i32
      %mul3A_714 = arith.muli %add3A_668, %mul3A_713 : i32
      %add3A_715 = arith.constant 3 : i32
      %add3A_716 = arith.addi %mul3A_714, %add3A_715 : i32
      %dma_start3A_717 = arith.constant 384 : i32
      %dma_start3A_718 = arith.constant 0 : i32
      %dma_start3A_719 = tpu.memref_slice %arg6[%sub3A_670, %dma_start3A_717, %dma_start3A_718] : memref<2x640x64xf32, #tpu.memory_space<vmem>> -> memref<1x128x64xf32, #tpu.memory_space<vmem>>
      %dma_start3A_720 = tpu.memref_squeeze %dma_start3A_719 : memref<1x128x64xf32, #tpu.memory_space<vmem>> -> memref<128x64xf32, #tpu.memory_space<vmem>>
      %dma_start3A_721 = arith.constant 0 : i32
      %dma_start3A_722 = tpu.memref_slice %arg5[%add3A_716, %dma_start3A_721] : memref<200x128xi32, #tpu.memory_space<vmem>> -> memref<1x128xi32, #tpu.memory_space<vmem>>
      %dma_start3A_723 = tpu.memref_squeeze %dma_start3A_722 : memref<1x128xi32, #tpu.memory_space<vmem>> -> memref<128xi32, #tpu.memory_space<vmem>>
      %dma_start3A_724 = arith.constant 0 : i32
      %dma_start3A_725 = arith.constant 0 : i32
      %dma_start3A_726 = tpu.memref_slice %arg3[%dma_start3A_724, %dma_start3A_725] : memref<1015808x64xf32, #tpu.memory_space<hbm>> -> memref<1015808x64xf32, #tpu.memory_space<hbm>>
      tpu.enqueue_indirect_dma source(%dma_start3A_726 : memref<1015808x64xf32, #tpu.memory_space<hbm>>) target(%dma_start3A_720 : memref<128x64xf32, #tpu.memory_space<vmem>>) offsets(%dma_start3A_723 : memref<128xi32, #tpu.memory_space<vmem>>) semaphore(%arg7 : memref<!tpu.dma_semaphore, #tpu.memory_space<semaphore_mem>>)
      %mul3A_727 = arith.constant 5 : i32
      %mul3A_728 = arith.muli %add3A_668, %mul3A_727 : i32
      %add3A_729 = arith.constant 4 : i32
      %add3A_730 = arith.addi %mul3A_728, %add3A_729 : i32
      %dma_start3A_731 = arith.constant 512 : i32
      %dma_start3A_732 = arith.constant 0 : i32
      %dma_start3A_733 = tpu.memref_slice %arg6[%sub3A_670, %dma_start3A_731, %dma_start3A_732] : memref<2x640x64xf32, #tpu.memory_space<vmem>> -> memref<1x128x64xf32, #tpu.memory_space<vmem>>
      %dma_start3A_734 = tpu.memref_squeeze %dma_start3A_733 : memref<1x128x64xf32, #tpu.memory_space<vmem>> -> memref<128x64xf32, #tpu.memory_space<vmem>>
      %dma_start3A_735 = arith.constant 0 : i32
      %dma_start3A_736 = tpu.memref_slice %arg5[%add3A_730, %dma_start3A_735] : memref<200x128xi32, #tpu.memory_space<vmem>> -> memref<1x128xi32, #tpu.memory_space<vmem>>
      %dma_start3A_737 = tpu.memref_squeeze %dma_start3A_736 : memref<1x128xi32, #tpu.memory_space<vmem>> -> memref<128xi32, #tpu.memory_space<vmem>>
      %dma_start3A_738 = arith.constant 0 : i32
      %dma_start3A_739 = arith.constant 0 : i32
      %dma_start3A_740 = tpu.memref_slice %arg3[%dma_start3A_738, %dma_start3A_739] : memref<1015808x64xf32, #tpu.memory_space<hbm>> -> memref<1015808x64xf32, #tpu.memory_space<hbm>>
      tpu.enqueue_indirect_dma source(%dma_start3A_740 : memref<1015808x64xf32, #tpu.memory_space<hbm>>) target(%dma_start3A_734 : memref<128x64xf32, #tpu.memory_space<vmem>>) offsets(%dma_start3A_737 : memref<128xi32, #tpu.memory_space<vmem>>) semaphore(%arg7 : memref<!tpu.dma_semaphore, #tpu.memory_space<semaphore_mem>>)
    }
    %scan3A_234 = arith.constant 38 : i32
    %dma_wait3A_235 = arith.constant 195 : i32
    %dma_wait3A_236 = arith.constant 1 : i32
    %dma_wait3A_237 = arith.constant 0 : i32
    %dma_wait3A_238 = arith.constant 0 : i32
    %dma_wait3A_239 = tpu.memref_slice %arg6[%dma_wait3A_236, %dma_wait3A_237, %dma_wait3A_238] : memref<2x640x64xf32, #tpu.memory_space<vmem>> -> memref<1x128x64xf32, #tpu.memory_space<vmem>>
    %dma_wait3A_240 = tpu.memref_squeeze %dma_wait3A_239 : memref<1x128x64xf32, #tpu.memory_space<vmem>> -> memref<128x64xf32, #tpu.memory_space<vmem>>
    %dma_wait3A_241 = arith.constant 0 : i32
    %dma_wait3A_242 = tpu.memref_slice %arg5[%dma_wait3A_235, %dma_wait3A_241] : memref<200x128xi32, #tpu.memory_space<vmem>> -> memref<1x128xi32, #tpu.memory_space<vmem>>
    %dma_wait3A_243 = tpu.memref_squeeze %dma_wait3A_242 : memref<1x128xi32, #tpu.memory_space<vmem>> -> memref<128xi32, #tpu.memory_space<vmem>>
    %dma_wait3A_244 = arith.constant 0 : i32
    %dma_wait3A_245 = arith.constant 0 : i32
    %dma_wait3A_246 = tpu.memref_slice %arg3[%dma_wait3A_244, %dma_wait3A_245] : memref<1015808x64xf32, #tpu.memory_space<hbm>> -> memref<1015808x64xf32, #tpu.memory_space<hbm>>
    tpu.wait_indirect_dma semaphore(%arg7 : memref<!tpu.dma_semaphore, #tpu.memory_space<semaphore_mem>>) src(%dma_wait3A_246 : memref<1015808x64xf32, #tpu.memory_space<hbm>>) dst(%dma_wait3A_240 : memref<128x64xf32, #tpu.memory_space<vmem>>)
    %dma_wait3A_247 = arith.constant 196 : i32
    %dma_wait3A_248 = arith.constant 1 : i32
    %dma_wait3A_249 = arith.constant 128 : i32
    %dma_wait3A_250 = arith.constant 0 : i32
    %dma_wait3A_251 = tpu.memref_slice %arg6[%dma_wait3A_248, %dma_wait3A_249, %dma_wait3A_250] : memref<2x640x64xf32, #tpu.memory_space<vmem>> -> memref<1x128x64xf32, #tpu.memory_space<vmem>>
    %dma_wait3A_252 = tpu.memref_squeeze %dma_wait3A_251 : memref<1x128x64xf32, #tpu.memory_space<vmem>> -> memref<128x64xf32, #tpu.memory_space<vmem>>
    %dma_wait3A_253 = arith.constant 0 : i32
    %dma_wait3A_254 = tpu.memref_slice %arg5[%dma_wait3A_247, %dma_wait3A_253] : memref<200x128xi32, #tpu.memory_space<vmem>> -> memref<1x128xi32, #tpu.memory_space<vmem>>
    %dma_wait3A_255 = tpu.memref_squeeze %dma_wait3A_254 : memref<1x128xi32, #tpu.memory_space<vmem>> -> memref<128xi32, #tpu.memory_space<vmem>>
    %dma_wait3A_256 = arith.constant 0 : i32
    %dma_wait3A_257 = arith.constant 0 : i32
    %dma_wait3A_258 = tpu.memref_slice %arg3[%dma_wait3A_256, %dma_wait3A_257] : memref<1015808x64xf32, #tpu.memory_space<hbm>> -> memref<1015808x64xf32, #tpu.memory_space<hbm>>
    tpu.wait_indirect_dma semaphore(%arg7 : memref<!tpu.dma_semaphore, #tpu.memory_space<semaphore_mem>>) src(%dma_wait3A_258 : memref<1015808x64xf32, #tpu.memory_space<hbm>>) dst(%dma_wait3A_252 : memref<128x64xf32, #tpu.memory_space<vmem>>)
    %dma_wait3A_259 = arith.constant 197 : i32
    %dma_wait3A_260 = arith.constant 1 : i32
    %dma_wait3A_261 = arith.constant 256 : i32
    %dma_wait3A_262 = arith.constant 0 : i32
    %dma_wait3A_263 = tpu.memref_slice %arg6[%dma_wait3A_260, %dma_wait3A_261, %dma_wait3A_262] : memref<2x640x64xf32, #tpu.memory_space<vmem>> -> memref<1x128x64xf32, #tpu.memory_space<vmem>>
    %dma_wait3A_264 = tpu.memref_squeeze %dma_wait3A_263 : memref<1x128x64xf32, #tpu.memory_space<vmem>> -> memref<128x64xf32, #tpu.memory_space<vmem>>
    %dma_wait3A_265 = arith.constant 0 : i32
    %dma_wait3A_266 = tpu.memref_slice %arg5[%dma_wait3A_259, %dma_wait3A_265] : memref<200x128xi32, #tpu.memory_space<vmem>> -> memref<1x128xi32, #tpu.memory_space<vmem>>
    %dma_wait3A_267 = tpu.memref_squeeze %dma_wait3A_266 : memref<1x128xi32, #tpu.memory_space<vmem>> -> memref<128xi32, #tpu.memory_space<vmem>>
    %dma_wait3A_268 = arith.constant 0 : i32
    %dma_wait3A_269 = arith.constant 0 : i32
    %dma_wait3A_270 = tpu.memref_slice %arg3[%dma_wait3A_268, %dma_wait3A_269] : memref<1015808x64xf32, #tpu.memory_space<hbm>> -> memref<1015808x64xf32, #tpu.memory_space<hbm>>
    tpu.wait_indirect_dma semaphore(%arg7 : memref<!tpu.dma_semaphore, #tpu.memory_space<semaphore_mem>>) src(%dma_wait3A_270 : memref<1015808x64xf32, #tpu.memory_space<hbm>>) dst(%dma_wait3A_264 : memref<128x64xf32, #tpu.memory_space<vmem>>)
    %dma_wait3A_271 = arith.constant 198 : i32
    %dma_wait3A_272 = arith.constant 1 : i32
    %dma_wait3A_273 = arith.constant 384 : i32
    %dma_wait3A_274 = arith.constant 0 : i32
    %dma_wait3A_275 = tpu.memref_slice %arg6[%dma_wait3A_272, %dma_wait3A_273, %dma_wait3A_274] : memref<2x640x64xf32, #tpu.memory_space<vmem>> -> memref<1x128x64xf32, #tpu.memory_space<vmem>>
    %dma_wait3A_276 = tpu.memref_squeeze %dma_wait3A_275 : memref<1x128x64xf32, #tpu.memory_space<vmem>> -> memref<128x64xf32, #tpu.memory_space<vmem>>
    %dma_wait3A_277 = arith.constant 0 : i32
    %dma_wait3A_278 = tpu.memref_slice %arg5[%dma_wait3A_271, %dma_wait3A_277] : memref<200x128xi32, #tpu.memory_space<vmem>> -> memref<1x128xi32, #tpu.memory_space<vmem>>
    %dma_wait3A_279 = tpu.memref_squeeze %dma_wait3A_278 : memref<1x128xi32, #tpu.memory_space<vmem>> -> memref<128xi32, #tpu.memory_space<vmem>>
    %dma_wait3A_280 = arith.constant 0 : i32
    %dma_wait3A_281 = arith.constant 0 : i32
    %dma_wait3A_282 = tpu.memref_slice %arg3[%dma_wait3A_280, %dma_wait3A_281] : memref<1015808x64xf32, #tpu.memory_space<hbm>> -> memref<1015808x64xf32, #tpu.memory_space<hbm>>
    tpu.wait_indirect_dma semaphore(%arg7 : memref<!tpu.dma_semaphore, #tpu.memory_space<semaphore_mem>>) src(%dma_wait3A_282 : memref<1015808x64xf32, #tpu.memory_space<hbm>>) dst(%dma_wait3A_276 : memref<128x64xf32, #tpu.memory_space<vmem>>)
    %dma_wait3A_283 = arith.constant 199 : i32
    %dma_wait3A_284 = arith.constant 1 : i32
    %dma_wait3A_285 = arith.constant 512 : i32
    %dma_wait3A_286 = arith.constant 0 : i32
    %dma_wait3A_287 = tpu.memref_slice %arg6[%dma_wait3A_284, %dma_wait3A_285, %dma_wait3A_286] : memref<2x640x64xf32, #tpu.memory_space<vmem>> -> memref<1x128x64xf32, #tpu.memory_space<vmem>>
    %dma_wait3A_288 = tpu.memref_squeeze %dma_wait3A_287 : memref<1x128x64xf32, #tpu.memory_space<vmem>> -> memref<128x64xf32, #tpu.memory_space<vmem>>
    %dma_wait3A_289 = arith.constant 0 : i32
    %dma_wait3A_290 = tpu.memref_slice %arg5[%dma_wait3A_283, %dma_wait3A_289] : memref<200x128xi32, #tpu.memory_space<vmem>> -> memref<1x128xi32, #tpu.memory_space<vmem>>
    %dma_wait3A_291 = tpu.memref_squeeze %dma_wait3A_290 : memref<1x128xi32, #tpu.memory_space<vmem>> -> memref<128xi32, #tpu.memory_space<vmem>>
    %dma_wait3A_292 = arith.constant 0 : i32
    %dma_wait3A_293 = arith.constant 0 : i32
    %dma_wait3A_294 = tpu.memref_slice %arg3[%dma_wait3A_292, %dma_wait3A_293] : memref<1015808x64xf32, #tpu.memory_space<hbm>> -> memref<1015808x64xf32, #tpu.memory_space<hbm>>
    tpu.wait_indirect_dma semaphore(%arg7 : memref<!tpu.dma_semaphore, #tpu.memory_space<semaphore_mem>>) src(%dma_wait3A_294 : memref<1015808x64xf32, #tpu.memory_space<hbm>>) dst(%dma_wait3A_288 : memref<128x64xf32, #tpu.memory_space<vmem>>)
    %add3A_295 = arith.constant 195 : i32
    %add3A_296 = arith.addi %mul3A_2, %add3A_295 : i32
    %mul3A_297 = arith.constant 128 : i32
    %mul3A_298 = arith.muli %add3A_296, %mul3A_297 : i32
    %jit3A_299 = arith.constant 4096 : i32
    %div3A_300 = arith.divsi %mul3A_298, %jit3A_299 : i32
    %sign3A_301 = arith.constant 0 : i32
    %sign3A_302 = arith.cmpi sgt, %mul3A_298, %sign3A_301 : i32
    %sign3A_303 = arith.extui %sign3A_302 : i1 to i32
    %sign3A_304 = arith.constant 0 : i32
    %sign3A_305 = arith.cmpi slt, %mul3A_298, %sign3A_304 : i32
    %sign3A_306 = arith.extui %sign3A_305 : i1 to i32
    %sign3A_307 = arith.subi %sign3A_303, %sign3A_306 : i32
    %sign3A_308 = arith.constant 0 : i32
    %sign3A_309 = arith.cmpi sgt, %jit3A_299, %sign3A_308 : i32
    %sign3A_310 = arith.extui %sign3A_309 : i1 to i32
    %sign3A_311 = arith.constant 0 : i32
    %sign3A_312 = arith.cmpi slt, %jit3A_299, %sign3A_311 : i32
    %sign3A_313 = arith.extui %sign3A_312 : i1 to i32
    %sign3A_314 = arith.subi %sign3A_310, %sign3A_313 : i32
    %ne3A_315 = arith.cmpi ne, %sign3A_307, %sign3A_314 : i32
    %rem3A_316 = arith.remsi %mul3A_298, %jit3A_299 : i32
    %ne3A_317 = arith.constant 0 : i32
    %ne3A_318 = arith.cmpi ne, %rem3A_316, %ne3A_317 : i32
    %and3A_319 = arith.andi %ne3A_315, %ne3A_318 : i1
    %sub3A_320 = arith.constant 1 : i32
    %sub3A_321 = arith.subi %div3A_300, %sub3A_320 : i32
    %select_n3A_322 = arith.select %and3A_319, %sub3A_321, %div3A_300 : i32
    %jit3A_323 = arith.constant 4096 : i32
    %eq3A_324 = arith.constant 0 : i32
    %eq3A_325 = arith.cmpi eq, %jit3A_323, %eq3A_324 : i32
    %jit3A_326 = arith.constant 1 : i32
    %select_n3A_327 = arith.select %eq3A_325, %jit3A_326, %jit3A_323 : i32
    %rem3A_328 = arith.remsi %mul3A_298, %select_n3A_327 : i32
    %ne3A_329 = arith.constant 0 : i32
    %ne3A_330 = arith.cmpi ne, %rem3A_328, %ne3A_329 : i32
    %lt3A_331 = arith.constant 0 : i32
    %lt3A_332 = arith.cmpi slt, %rem3A_328, %lt3A_331 : i32
    %lt3A_333 = arith.constant 0 : i32
    %lt3A_334 = arith.cmpi slt, %select_n3A_327, %lt3A_333 : i32
    %ne3A_335 = arith.xori %lt3A_332, %lt3A_334 : i1
    %and3A_336 = arith.andi %ne3A_335, %ne3A_330 : i1
    %add3A_337 = arith.addi %rem3A_328, %select_n3A_327 : i32
    %select_n3A_338 = arith.select %and3A_336, %add3A_337, %rem3A_328 : i32
    %dma_start3A_339 = arith.constant 1 : i32
    %dma_start3A_340 = arith.constant 0 : i32
    %dma_start3A_341 = arith.constant 0 : i32
    %dma_start3A_342 = tpu.memref_slice %arg6[%dma_start3A_339, %dma_start3A_340, %dma_start3A_341] : memref<2x640x64xf32, #tpu.memory_space<vmem>> -> memref<1x640x64xf32, #tpu.memory_space<vmem>>
    %dma_start3A_343 = tpu.memref_squeeze %dma_start3A_342 : memref<1x640x64xf32, #tpu.memory_space<vmem>> -> memref<640x64xf32, #tpu.memory_space<vmem>>
    %dma_start3A_344 = arith.constant 0 : i32
    %dma_start3A_345 = tpu.memref_slice %arg4[%select_n3A_322, %select_n3A_338, %dma_start3A_344] : memref<200x4096x128xf32, #tpu.memory_space<hbm>> -> memref<1x640x64xf32, #tpu.memory_space<hbm>>
    %dma_start3A_346 = tpu.memref_squeeze %dma_start3A_345 : memref<1x640x64xf32, #tpu.memory_space<hbm>> -> memref<640x64xf32, #tpu.memory_space<hbm>>
    %dma_start3A_347 = arith.constant 0 : i32
    %dma_start3A_348 = tpu.memref_slice %arg4[%select_n3A_322, %select_n3A_338, %dma_start3A_347] : memref<200x4096x128xf32, #tpu.memory_space<hbm>> -> memref<1x640x64xf32, #tpu.memory_space<hbm>>
    %dma_start3A_349 = tpu.memref_squeeze %dma_start3A_348 : memref<1x640x64xf32, #tpu.memory_space<hbm>> -> memref<640x64xf32, #tpu.memory_space<hbm>>
    %dma_start3A_350 = arith.constant 0 : i32
    %dma_start3A_351 = arith.constant 0 : i32
    %dma_start3A_352 = tpu.memref_slice %arg6[%dma_start3A_339, %dma_start3A_350, %dma_start3A_351] : memref<2x640x64xf32, #tpu.memory_space<vmem>> -> memref<1x640x64xf32, #tpu.memory_space<vmem>>
    %dma_start3A_353 = tpu.memref_squeeze %dma_start3A_352 : memref<1x640x64xf32, #tpu.memory_space<vmem>> -> memref<640x64xf32, #tpu.memory_space<vmem>>
    tpu.enqueue_dma source(%dma_start3A_353 : memref<640x64xf32, #tpu.memory_space<vmem>>) target(%dma_start3A_349 : memref<640x64xf32, #tpu.memory_space<hbm>>) target_semaphore(%arg8 : memref<!tpu.dma_semaphore, #tpu.memory_space<semaphore_mem>>)
    %add3A_354 = arith.constant 190 : i32
    %add3A_355 = arith.addi %mul3A_2, %add3A_354 : i32
    %mul3A_356 = arith.constant 128 : i32
    %mul3A_357 = arith.muli %add3A_355, %mul3A_356 : i32
    %jit3A_358 = arith.constant 4096 : i32
    %div3A_359 = arith.divsi %mul3A_357, %jit3A_358 : i32
    %sign3A_360 = arith.constant 0 : i32
    %sign3A_361 = arith.cmpi sgt, %mul3A_357, %sign3A_360 : i32
    %sign3A_362 = arith.extui %sign3A_361 : i1 to i32
    %sign3A_363 = arith.constant 0 : i32
    %sign3A_364 = arith.cmpi slt, %mul3A_357, %sign3A_363 : i32
    %sign3A_365 = arith.extui %sign3A_364 : i1 to i32
    %sign3A_366 = arith.subi %sign3A_362, %sign3A_365 : i32
    %sign3A_367 = arith.constant 0 : i32
    %sign3A_368 = arith.cmpi sgt, %jit3A_358, %sign3A_367 : i32
    %sign3A_369 = arith.extui %sign3A_368 : i1 to i32
    %sign3A_370 = arith.constant 0 : i32
    %sign3A_371 = arith.cmpi slt, %jit3A_358, %sign3A_370 : i32
    %sign3A_372 = arith.extui %sign3A_371 : i1 to i32
    %sign3A_373 = arith.subi %sign3A_369, %sign3A_372 : i32
    %ne3A_374 = arith.cmpi ne, %sign3A_366, %sign3A_373 : i32
    %rem3A_375 = arith.remsi %mul3A_357, %jit3A_358 : i32
    %ne3A_376 = arith.constant 0 : i32
    %ne3A_377 = arith.cmpi ne, %rem3A_375, %ne3A_376 : i32
    %and3A_378 = arith.andi %ne3A_374, %ne3A_377 : i1
    %sub3A_379 = arith.constant 1 : i32
    %sub3A_380 = arith.subi %div3A_359, %sub3A_379 : i32
    %select_n3A_381 = arith.select %and3A_378, %sub3A_380, %div3A_359 : i32
    %jit3A_382 = arith.constant 4096 : i32
    %eq3A_383 = arith.constant 0 : i32
    %eq3A_384 = arith.cmpi eq, %jit3A_382, %eq3A_383 : i32
    %jit3A_385 = arith.constant 1 : i32
    %select_n3A_386 = arith.select %eq3A_384, %jit3A_385, %jit3A_382 : i32
    %rem3A_387 = arith.remsi %mul3A_357, %select_n3A_386 : i32
    %ne3A_388 = arith.constant 0 : i32
    %ne3A_389 = arith.cmpi ne, %rem3A_387, %ne3A_388 : i32
    %lt3A_390 = arith.constant 0 : i32
    %lt3A_391 = arith.cmpi slt, %rem3A_387, %lt3A_390 : i32
    %lt3A_392 = arith.constant 0 : i32
    %lt3A_393 = arith.cmpi slt, %select_n3A_386, %lt3A_392 : i32
    %ne3A_394 = arith.xori %lt3A_391, %lt3A_393 : i1
    %and3A_395 = arith.andi %ne3A_394, %ne3A_389 : i1
    %add3A_396 = arith.addi %rem3A_387, %select_n3A_386 : i32
    %select_n3A_397 = arith.select %and3A_395, %add3A_396, %rem3A_387 : i32
    %dma_wait3A_398 = arith.constant 0 : i32
    %dma_wait3A_399 = arith.constant 0 : i32
    %dma_wait3A_400 = arith.constant 0 : i32
    %dma_wait3A_401 = tpu.memref_slice %arg6[%dma_wait3A_398, %dma_wait3A_399, %dma_wait3A_400] : memref<2x640x64xf32, #tpu.memory_space<vmem>> -> memref<1x640x64xf32, #tpu.memory_space<vmem>>
    %dma_wait3A_402 = tpu.memref_squeeze %dma_wait3A_401 : memref<1x640x64xf32, #tpu.memory_space<vmem>> -> memref<640x64xf32, #tpu.memory_space<vmem>>
    %dma_wait3A_403 = arith.constant 0 : i32
    %dma_wait3A_404 = tpu.memref_slice %arg4[%select_n3A_381, %select_n3A_397, %dma_wait3A_403] : memref<200x4096x128xf32, #tpu.memory_space<hbm>> -> memref<1x640x64xf32, #tpu.memory_space<hbm>>
    %dma_wait3A_405 = tpu.memref_squeeze %dma_wait3A_404 : memref<1x640x64xf32, #tpu.memory_space<hbm>> -> memref<640x64xf32, #tpu.memory_space<hbm>>
    %dma_wait3A_406 = arith.constant 0 : i32
    %dma_wait3A_407 = tpu.memref_slice %arg4[%select_n3A_381, %select_n3A_397, %dma_wait3A_406] : memref<200x4096x128xf32, #tpu.memory_space<hbm>> -> memref<1x640x64xf32, #tpu.memory_space<hbm>>
    %dma_wait3A_408 = tpu.memref_squeeze %dma_wait3A_407 : memref<1x640x64xf32, #tpu.memory_space<hbm>> -> memref<640x64xf32, #tpu.memory_space<hbm>>
    %dma_wait3A_409 = arith.constant 0 : i32
    %dma_wait3A_410 = arith.constant 0 : i32
    %dma_wait3A_411 = tpu.memref_slice %arg6[%dma_wait3A_398, %dma_wait3A_409, %dma_wait3A_410] : memref<2x640x64xf32, #tpu.memory_space<vmem>> -> memref<1x640x64xf32, #tpu.memory_space<vmem>>
    %dma_wait3A_412 = tpu.memref_squeeze %dma_wait3A_411 : memref<1x640x64xf32, #tpu.memory_space<vmem>> -> memref<640x64xf32, #tpu.memory_space<vmem>>
    tpu.wait_dma2 semaphore(%arg8 : memref<!tpu.dma_semaphore, #tpu.memory_space<semaphore_mem>>) src(%dma_wait3A_412 : memref<640x64xf32, #tpu.memory_space<vmem>>) dst(%dma_wait3A_408 : memref<640x64xf32, #tpu.memory_space<hbm>>)
    %add3A_413 = arith.constant 195 : i32
    %add3A_414 = arith.addi %mul3A_2, %add3A_413 : i32
    %mul3A_415 = arith.constant 128 : i32
    %mul3A_416 = arith.muli %add3A_414, %mul3A_415 : i32
    %jit3A_417 = arith.constant 4096 : i32
    %div3A_418 = arith.divsi %mul3A_416, %jit3A_417 : i32
    %sign3A_419 = arith.constant 0 : i32
    %sign3A_420 = arith.cmpi sgt, %mul3A_416, %sign3A_419 : i32
    %sign3A_421 = arith.extui %sign3A_420 : i1 to i32
    %sign3A_422 = arith.constant 0 : i32
    %sign3A_423 = arith.cmpi slt, %mul3A_416, %sign3A_422 : i32
    %sign3A_424 = arith.extui %sign3A_423 : i1 to i32
    %sign3A_425 = arith.subi %sign3A_421, %sign3A_424 : i32
    %sign3A_426 = arith.constant 0 : i32
    %sign3A_427 = arith.cmpi sgt, %jit3A_417, %sign3A_426 : i32
    %sign3A_428 = arith.extui %sign3A_427 : i1 to i32
    %sign3A_429 = arith.constant 0 : i32
    %sign3A_430 = arith.cmpi slt, %jit3A_417, %sign3A_429 : i32
    %sign3A_431 = arith.extui %sign3A_430 : i1 to i32
    %sign3A_432 = arith.subi %sign3A_428, %sign3A_431 : i32
    %ne3A_433 = arith.cmpi ne, %sign3A_425, %sign3A_432 : i32
    %rem3A_434 = arith.remsi %mul3A_416, %jit3A_417 : i32
    %ne3A_435 = arith.constant 0 : i32
    %ne3A_436 = arith.cmpi ne, %rem3A_434, %ne3A_435 : i32
    %and3A_437 = arith.andi %ne3A_433, %ne3A_436 : i1
    %sub3A_438 = arith.constant 1 : i32
    %sub3A_439 = arith.subi %div3A_418, %sub3A_438 : i32
    %select_n3A_440 = arith.select %and3A_437, %sub3A_439, %div3A_418 : i32
    %jit3A_441 = arith.constant 4096 : i32
    %eq3A_442 = arith.constant 0 : i32
    %eq3A_443 = arith.cmpi eq, %jit3A_441, %eq3A_442 : i32
    %jit3A_444 = arith.constant 1 : i32
    %select_n3A_445 = arith.select %eq3A_443, %jit3A_444, %jit3A_441 : i32
    %rem3A_446 = arith.remsi %mul3A_416, %select_n3A_445 : i32
    %ne3A_447 = arith.constant 0 : i32
    %ne3A_448 = arith.cmpi ne, %rem3A_446, %ne3A_447 : i32
    %lt3A_449 = arith.constant 0 : i32
    %lt3A_450 = arith.cmpi slt, %rem3A_446, %lt3A_449 : i32
    %lt3A_451 = arith.constant 0 : i32
    %lt3A_452 = arith.cmpi slt, %select_n3A_445, %lt3A_451 : i32
    %ne3A_453 = arith.xori %lt3A_450, %lt3A_452 : i1
    %and3A_454 = arith.andi %ne3A_453, %ne3A_448 : i1
    %add3A_455 = arith.addi %rem3A_446, %select_n3A_445 : i32
    %select_n3A_456 = arith.select %and3A_454, %add3A_455, %rem3A_446 : i32
    %dma_wait3A_457 = arith.constant 1 : i32
    %dma_wait3A_458 = arith.constant 0 : i32
    %dma_wait3A_459 = arith.constant 0 : i32
    %dma_wait3A_460 = tpu.memref_slice %arg6[%dma_wait3A_457, %dma_wait3A_458, %dma_wait3A_459] : memref<2x640x64xf32, #tpu.memory_space<vmem>> -> memref<1x640x64xf32, #tpu.memory_space<vmem>>
    %dma_wait3A_461 = tpu.memref_squeeze %dma_wait3A_460 : memref<1x640x64xf32, #tpu.memory_space<vmem>> -> memref<640x64xf32, #tpu.memory_space<vmem>>
    %dma_wait3A_462 = arith.constant 0 : i32
    %dma_wait3A_463 = tpu.memref_slice %arg4[%select_n3A_440, %select_n3A_456, %dma_wait3A_462] : memref<200x4096x128xf32, #tpu.memory_space<hbm>> -> memref<1x640x64xf32, #tpu.memory_space<hbm>>
    %dma_wait3A_464 = tpu.memref_squeeze %dma_wait3A_463 : memref<1x640x64xf32, #tpu.memory_space<hbm>> -> memref<640x64xf32, #tpu.memory_space<hbm>>
    %dma_wait3A_465 = arith.constant 0 : i32
    %dma_wait3A_466 = tpu.memref_slice %arg4[%select_n3A_440, %select_n3A_456, %dma_wait3A_465] : memref<200x4096x128xf32, #tpu.memory_space<hbm>> -> memref<1x640x64xf32, #tpu.memory_space<hbm>>
    %dma_wait3A_467 = tpu.memref_squeeze %dma_wait3A_466 : memref<1x640x64xf32, #tpu.memory_space<hbm>> -> memref<640x64xf32, #tpu.memory_space<hbm>>
    %dma_wait3A_468 = arith.constant 0 : i32
    %dma_wait3A_469 = arith.constant 0 : i32
    %dma_wait3A_470 = tpu.memref_slice %arg6[%dma_wait3A_457, %dma_wait3A_468, %dma_wait3A_469] : memref<2x640x64xf32, #tpu.memory_space<vmem>> -> memref<1x640x64xf32, #tpu.memory_space<vmem>>
    %dma_wait3A_471 = tpu.memref_squeeze %dma_wait3A_470 : memref<1x640x64xf32, #tpu.memory_space<vmem>> -> memref<640x64xf32, #tpu.memory_space<vmem>>
    tpu.wait_dma2 semaphore(%arg8 : memref<!tpu.dma_semaphore, #tpu.memory_space<semaphore_mem>>) src(%dma_wait3A_471 : memref<640x64xf32, #tpu.memory_space<vmem>>) dst(%dma_wait3A_467 : memref<640x64xf32, #tpu.memory_space<hbm>>)
    return
  }
}

module attributes {stable_mosaic.version = 14 : i64} {
  func.func @_t1_body(%arg0: i32, %arg1: memref<64x8192xf32, #tpu.memory_space<vmem>>, %arg2: memref<64x8192xf32, #tpu.memory_space<vmem>>, %arg3: memref<8192x128xf32, #tpu.memory_space<vmem>>, %arg4: memref<8192x128xf32, #tpu.memory_space<vmem>>) attributes {dimension_semantics = [#tpu.dimension_semantics<arbitrary>], iteration_bounds = array<i64: 62>, scalar_prefetch = 0 : i64, scratch_operands = 0 : i64, tpu.core_type = #tpu.core_type<tc>, window_params = [{transform_indices = @transform_0, window_bounds = array<i64: 64, 8192>}, {transform_indices = @transform_1, window_bounds = array<i64: 64, 8192>}, {pipeline_mode = #tpu.pipeline_mode<synchronous>, transform_indices = @transform_2, window_bounds = array<i64: 8192, 128>}, {transform_indices = @transform_3, window_bounds = array<i64: 8192, 128>}]} {
    %lt3A = arith.constant 61 : i32
    %lt3A_0 = arith.cmpi slt, %arg0, %lt3A : i32
    %convert_element_type3A = arith.extui %lt3A_0 : i1 to i32
    %cond3A = arith.constant 0 : i32
    %cond3A_1 = arith.cmpi ne, %convert_element_type3A, %cond3A : i32
    scf.if %cond3A_1 {
      %get3A = arith.constant 0 : index
      %get3A_6 = arith.constant 0 : index
      %get3A_7 = vector.load %arg1[%get3A, %get3A_6] : memref<64x8192xf32, #tpu.memory_space<vmem>>, vector<64x8192xf32>
      %get3A_8 = arith.constant 0 : index
      %get3A_9 = arith.constant 0 : index
      %get3A_10 = vector.load %arg2[%get3A_8, %get3A_9] : memref<64x8192xf32, #tpu.memory_space<vmem>>, vector<64x8192xf32>
      %concatenate3A = tpu.concatenate %get3A_7, %get3A_10 in 0 : vector<64x8192xf32>, vector<64x8192xf32> -> vector<128x8192xf32>
      %iota3A = tpu.iota {dimensions = array<i32: 0>} : vector<128x128xi32>
      %iota3A_11 = tpu.iota {dimensions = array<i32: 1>} : vector<128x128xi32>
      %add3A = arith.constant 0 : i32
      %add3A_12 = vector.broadcast %add3A : i32 to vector<128x128xi32>
      %add3A_13 = arith.addi %iota3A, %add3A_12 : vector<128x128xi32>
      %eq3A_14 = arith.cmpi eq, %add3A_13, %iota3A_11 : vector<128x128xi32>
      %convert_element_type3A_15 = arith.extui %eq3A_14 : vector<128x128xi1> to vector<128x128xi32>
      %convert_element_type3A_16 = arith.sitofp %convert_element_type3A_15 : vector<128x128xi32> to vector<128x128xf32>
      %dot_general3A = arith.constant dense<0.000000e+00> : vector<8192x128xf32>
      %dot_general3A_17 = tpu.matmul %concatenate3A, %convert_element_type3A_16, %dot_general3A {dimension_numbers = #tpu.dot_dimension_numbers<[0], [0], [1], [1], [0, 1, 1, 1], [], []>, transpose_lhs_hint = false} : vector<128x8192xf32>, vector<128x128xf32>, vector<8192x128xf32> -> vector<8192x128xf32>
      %swap3A = arith.constant 0 : index
      %swap3A_18 = arith.constant 0 : index
      %swap3A_19 = vector.load %arg4[%swap3A, %swap3A_18] : memref<8192x128xf32, #tpu.memory_space<vmem>>, vector<8192x128xf32>
      tpu.vector_store %arg4[%swap3A, %swap3A_18], %dot_general3A_17 {strides = array<i32>} : memref<8192x128xf32, #tpu.memory_space<vmem>>, vector<8192x128xf32>,
    } else {
    }
    %eq3A = arith.constant 61 : i32
    %eq3A_2 = arith.cmpi eq, %arg0, %eq3A : i32
    %convert_element_type3A_3 = arith.extui %eq3A_2 : i1 to i32
    %cond3A_4 = arith.constant 0 : i32
    %cond3A_5 = arith.cmpi ne, %convert_element_type3A_3, %cond3A_4 : i32
    scf.if %cond3A_5 {
      %get3A = arith.constant 0 : index
      %get3A_6 = arith.constant 0 : index
      %get3A_7 = vector.load %arg3[%get3A, %get3A_6] : memref<8192x128xf32, #tpu.memory_space<vmem>>, vector<8192x128xf32>
      %swap3A = arith.constant 0 : index
      %swap3A_8 = arith.constant 0 : index
      %swap3A_9 = vector.load %arg4[%swap3A, %swap3A_8] : memref<8192x128xf32, #tpu.memory_space<vmem>>, vector<8192x128xf32>
      tpu.vector_store %arg4[%swap3A, %swap3A_8], %get3A_7 {strides = array<i32>} : memref<8192x128xf32, #tpu.memory_space<vmem>>, vector<8192x128xf32>,
    } else {
    }
    return
  }
  func.func @transform_0(%arg0: i32) -> (i32, i32) {
    %mul3A = arith.constant 2 : i32
    %mul3A_0 = arith.muli %mul3A, %arg0 : i32
    %min3A = arith.constant 120 : i32
    %min3A_1 = arith.minsi %mul3A_0, %min3A : i32
    %c0_i32 = arith.constant 0 : i32
    %c0_i32_2 = arith.constant 0 : i32
    return %c0_i32, %min3A_1 : i32, i32
  }
  func.func @transform_1(%arg0: i32) -> (i32, i32) {
    %mul3A = arith.constant 2 : i32
    %mul3A_0 = arith.muli %mul3A, %arg0 : i32
    %add3A = arith.constant 1 : i32
    %add3A_1 = arith.addi %mul3A_0, %add3A : i32
    %min3A = arith.constant 121 : i32
    %min3A_2 = arith.minsi %add3A_1, %min3A : i32
    %c0_i32 = arith.constant 0 : i32
    %c0_i32_3 = arith.constant 0 : i32
    return %c0_i32, %min3A_2 : i32, i32
  }
  func.func @transform_2(%arg0: i32) -> (i32, i32) {
    %c0_i32 = arith.constant 0 : i32
    %c0_i32_0 = arith.constant 0 : i32
    %c0_i32_1 = arith.constant 0 : i32
    return %c0_i32, %c0_i32_0 : i32, i32
  }
  func.func @transform_3(%arg0: i32) -> (i32, i32) {
    %c0_i32 = arith.constant 0 : i32
    %c0_i32_0 = arith.constant 0 : i32
    return %arg0, %c0_i32 : i32, i32
  }
}

</mosaic_0001>

<sc_bundles>
// kernel: kernel.4.cloned.1.call-start
scs
__scs_entry_jumppad:
0x0: {  	(pc) =	sbr.rel $0x88, $3  }
0x1: {  	(tag) =	ssettag $0x0;
	lr =	simm.s32 $0x1  }
0x2: {  	[smem:$0x3F9F] =	sst lr;
	_ =	strace $0xD0000000  }
0x3: {  	_ = 	snop  }
0x4: {  	_ = 	snop  }
0x5: {  	_ = 	snop  }
0x6: {  	_ = 	snop  }
0x7: {  	_ = 	snop  }
__scs_overlays_trampoline_lowered:
0x8: {  	[smem:$0x3FAE] =	sst s0  }
0x9: {  	[smem:$0x3FAF] =	sst s1  }
0xa: {  	[smem:$0x3FB0] =	sst s2  }
0xb: {  	[smem:$0x3FB1] =	sst s3  }
0xc: {  	[smem:$0x3FB2] =	sst s4  }
0xd: {  	[smem:$0x3FB3] =	sst s5  }
0xe: {  	[smem:$0x3FB4] =	sst s6  }
0xf: {  	[smem:$0x3FB5] =	sst s7  }
0x10: {  	[smem:$0x3FB6] =	sst s8  }
0x11: {  	[smem:$0x3FB7] =	sst s9;
	s0 =	simm.s32 @!p0 $0x0  }
0x12: {  	s1 =	sld [smem:$0x3F9D];
	s0 =	simm.s32 @p0 $0x1  }
0x13: {  	[smem:$0x3FB8] =	sst s0;
	s0 =	simm.s32 @!p1 $0x0  }
0x14: {  	s2 =	sld [smem:$0x3F9C];
	s0 =	simm.s32 @p1 $0x1  }
0x15: {  	[smem:$0x3FB9] =	sst s0;
	s0 =	simm.s32 @!p2 $0x0  }
0x16: {  	s3 =	sld [smem:$0x3FDB];
	s0 =	simm.s32 @p2 $0x1  }
0x17: {  	s4 =	simm.s32 $0x1BF5;
	[smem:$0x3FBB] =	sst s0  }
0x18: {  	s0 =	sld [smem:$0x3F9E];
	_ =	swait.ge [sflag:s4], $0x0  }
0x19: {  	s7 =	sld [smem:$0x3F9F]  }
0x1a: {  	s8 =	sadd.s32 $0xFFFFE003, lr  }
0x1b: {  	s9 =	sadd.s32 $0xFFFFFEF7, lr;
	s5 =	simm.s32 $0xFFFFFFFF;
	p2 =	slt.u32 s8, $0xFFFFF086  }
0x1c: {  	p1 =	slt.u32 s9, $0xF7A;
	s5 =	simm.s32 @!p2 $0x0  }
0x1d: {  	s5 =	simm.s32 @p1 $0x1;
	p0 =	seq.s32 s7, s2  }
0x1e: {  	s7 =	smul.u32 @!p0 $0xF7A, s2;
	p2 =	seq.s32 @!p0 s5, $0x0  }
0x1f: {  	s9 =	smul.u32 $0xF7A, s1;
	s8 =	simm.s32 @!p0 $0x1BF5;
	p2 =	por !p2, p0  }
0x20: {  	[sflag:s8] =	ssyncset.s32 @!p0 $0xFFFFF086;
	s6 =	sadd.s32 @!p0 s3, s7;
	s7 =	simm.s32 @!p0 $0x108  }
0x21: {  	s3 =	sadd.s32 s3, s9;
	s6 =	sadd.s32 @!p0 $0x88, s6;
	s7 =	simm.s32 @p2 $0x1082  }
0x22: {  	[simem:s7], [sflag:s8] =	dma.local @!p0 [hbm:s6], $0xF7A  }
0x23: {  	s9 =	sor.u32 $0xD0000000, s2;
	s6 =	simm.s32 $0x108;
	_ =	swait.ge @!p0 [sflag:s8], $0x0  }
0x24: {  	s3 =	sadd.s32 $0x88, s3;
	s6 =	simm.s32 @!p1 $0x1082;
	[sflag:s4] =	ssyncset.s32 $0xFFFFF086  }
0x25: {  	[simem:s6], [sflag:s4] =	dma.local [hbm:s3], $0xF7A  }
0x26: {  	[smem:$0x3F9F] =	sst s1;
	(tag) =	ssettag s2;
	_ =	strace s9  }
0x27: {  	s1 =	sld [smem:$0x3FAF]  }
0x28: {  	s2 =	sld [smem:$0x3FB0]  }
0x29: {  	s4 =	sld [smem:$0x3FB2]  }
0x2a: {  	p0 =	seq.s32 s5, $0x0;
	s5 =	sld [smem:$0x3FB3]  }
0x2b: {  	s6 =	sld [smem:$0x3FB4]  }
0x2c: {  	s7 =	sld [smem:$0x3FB5]  }
0x2d: {  	s3 =	simm.s32 $0x108;
	s8 =	sld [smem:$0x3FB6]  }
0x2e: {  	s3 =	simm.s32 @!p0 $0x1082;
	s9 =	sld [smem:$0x3FB7]  }
0x2f: {  	lr =	sadd.s32 s0, s3;
	s0 =	sld [smem:$0x3FAE]  }
0x30: {  	s3 =	sld [smem:$0x3FB1]  }
0x31: {  	[smem:$0x3FBA] =	sst s10  }
0x32: {  	s10 =	sld [smem:$0x3FB8];
	_ =	sdelay $0x3  }
0x33: {  	p0 =	seq.s32 s10, $0x1;
	s10 =	sld [smem:$0x3FBA];
	_ =	sdelay $0x3  }
0x34: {  	[smem:$0x3FBA] =	sst s10  }
0x35: {  	s10 =	sld [smem:$0x3FB9];
	_ =	sdelay $0x3  }
0x36: {  	p1 =	seq.s32 s10, $0x1;
	s10 =	sld [smem:$0x3FBA];
	_ =	sdelay $0x3  }
0x37: {  	[smem:$0x3FBA] =	sst s10  }
0x38: {  	s10 =	sld [smem:$0x3FBB]  }
0x39: {  	_ = 	snop;
	(pc) =	sbr.ind lr, $3  }
0x3a: {  	_ = 	snop  }
0x3b: {  	_ = 	snop  }
0x3c: {  	p2 =	seq.s32 s10, $0x1;
	s10 =	sld [smem:$0x3FBA]  }
0x3d: {  	_ =	shalt  }
0x3e: {  	_ =	shalt  }
0x3f: {  	_ =	shalt  }
0x40: {  	_ =	shalt  }
0x41: {  	_ =	shalt  }
0x42: {  	_ =	shalt  }
0x43: {  	_ =	shalt  }
0x44: {  	_ =	shalt  }
0x45: {  	_ =	shalt  }
0x46: {  	_ =	shalt  }
0x47: {  	_ =	shalt  }
0x48: {  	_ =	shalt  }
0x49: {  	_ =	shalt  }
0x4a: {  	_ =	shalt  }
0x4b: {  	_ =	shalt  }
0x4c: {  	_ =	shalt  }
0x4d: {  	_ =	shalt  }
0x4e: {  	_ =	shalt  }
0x4f: {  	_ =	shalt  }
0x50: {  	_ =	shalt  }
0x51: {  	_ =	shalt  }
0x52: {  	_ =	shalt  }
0x53: {  	_ =	shalt  }
0x54: {  	_ =	shalt  }
0x55: {  	_ =	shalt  }
0x56: {  	_ =	shalt  }
0x57: {  	_ =	shalt  }
0x58: {  	_ =	shalt  }
0x59: {  	_ =	shalt  }
0x5a: {  	_ =	shalt  }
0x5b: {  	_ =	shalt  }
0x5c: {  	_ =	shalt  }
0x5d: {  	_ =	shalt  }
0x5e: {  	_ =	shalt  }
0x5f: {  	_ =	shalt  }
0x60: {  	_ =	shalt  }
0x61: {  	_ =	shalt  }
0x62: {  	_ =	shalt  }
0x63: {  	_ =	shalt  }
0x64: {  	_ =	shalt  }
0x65: {  	_ =	shalt  }
0x66: {  	_ =	shalt  }
0x67: {  	_ =	shalt  }
0x68: {  	_ =	shalt  }
0x69: {  	_ =	shalt  }
0x6a: {  	_ =	shalt  }
0x6b: {  	_ =	shalt  }
0x6c: {  	_ =	shalt  }
0x6d: {  	_ =	shalt  }
0x6e: {  	_ =	shalt  }
0x6f: {  	_ =	shalt  }
0x70: {  	_ =	shalt  }
0x71: {  	_ =	shalt  }
0x72: {  	_ =	shalt  }
0x73: {  	_ =	shalt  }
0x74: {  	_ =	shalt  }
0x75: {  	_ =	shalt  }
0x76: {  	_ =	shalt  }
0x77: {  	_ =	shalt  }
0x78: {  	_ =	shalt  }
0x79: {  	_ =	shalt  }
0x7a: {  	_ =	shalt  }
0x7b: {  	_ =	shalt  }
0x7c: {  	_ =	shalt  }
0x7d: {  	_ =	shalt  }
0x7e: {  	_ =	shalt  }
0x7f: {  	_ =	shalt  }
0x80: {  	_ =	shalt  }
0x81: {  	_ =	shalt  }
0x82: {  	_ =	shalt  }
0x83: {  	_ =	shalt  }
0x84: {  	_ =	shalt  }
0x85: {  	_ =	shalt  }
0x86: {  	_ =	shalt  }
0x87: {  	_ =	shalt  }
.Lfunc_end0:
.L_simem_size_0:
called_computation.1_lowered:
.L_overlay_start_0:
0x88: {  	s2 =	sld [smem:$0x3FD9]  }
0x89: {  	s3 =	sld [smem:$0x3FFE];
	_ =	sdelay $0x1  }
0x8a: {  	s1 =	srdreg.scid  }
0x8b: {  	s0 =	sand.u32 $0x1, s1  }
0x8c: {  	s17 =	sshll.u32 s0, $0xA;
	s2 =	sadd.s32 s3, s2  }
0x8d: {  	s2 =	sadd.s32 s2, s17  }
0x8e: {  	[smem:$0x3FC6] =	sst s2  }
0x8f: {  	_ = 	snop  }
0x90: {  	s2 =	sld [smem:$0x3FD0];
	(tm) =	ssettm $0x1  }
0x91: {  	s18 =	sld [smem:$0x3FFB];
	_ =	sdelay $0x3  }
0x92: {  	_ =	strace s18  }
0x93: {  	s3 =	sld [smem:$0x3FFC];
	_ =	sdelay $0x3  }
0x94: {  	_ =	strace s3  }
0x95: {  	s3 =	sld [smem:$0x3FFD];
	_ =	sdelay $0x3  }
0x96: {  	_ =	strace s3  }
0x97: {  	_ =	strace $0x8FFFFFFF  }
0x98: {  	s19 =	sld [smem:$0x3FDB];
	_ =	sdelay $0x1  }
0x99: {  	s4 =	simm.s32 $_scs_section_size  }
0x9a: {  	s5 =	simm.s32 $_size__tile_overlayer_lowered;
	s6 =	simm.s32 $_tile_overlayer_lowered  }
0x9b: {  	s22 =	simm.s32 $0x1BFF;
	s21 =	sshll.u32 s6, $0x1;
	s3 =	sadd.s32 s4, s19  }
0x9c: {  	s7 =	simm.s32 $0x0;
	s20 =	sshll.u32 s5, $0x1;
	s5 =	sadd.s32 s21, s3  }
0x9d: {  	[timem:s7], [sflag:s22] =	dma.local [hbm:s5], s20  }
0x9e: {  	_ =	swait.ge [sflag:s22], s20  }
0x9f: {  	s4 =	ssub.s32 $0x0, s20;
	[sflag:s22] =	ssyncset.done $0x0  }
0xa0: {  	[sflag:s22] =	ssyncadd.s32 s4;
	_ =	sdelay $0x1  }
0xa1: {  	s23 =	simm.s32 $0x1B8B  }
0xa2: {  	_ =	swait.ge [sflag:s23], $0x1  }
0xa3: {  	[sflag:s23] =	ssyncset.done $0x0  }
0xa4: {  	s25 =	simm.s32 $0x1B8E;
	s24 =	sld [smem:$0x3FFE];
	[sflag:s23] =	ssyncadd.s32 $0xFFFFFFFF  }
0xa5: {  	s26 =	simm.s32 $execute0_lowered;
	[smem:$0x3FD2] =	sst s25  }
0xa6: {  	s5 =	sshll.u32 s26, $0x1;
	_ =	strace $0x80000046;
	[dreg:$0x1] =	wrdreg $0xFFFFFFFF  }
0xa7: {  	s28 =	simm.s32 $_size_execute0_lowered;
	s3 =	sadd.s32 s3, s5;
	[dreg:$0x0] =	wrdreg $0x0  }
0xa8: {  	s5 =	sshll.u32 s28, $0x1;
	[dreg:$0x2] =	wrdreg s3  }
0xa9: {  	[dreg:$0x3] =	wrdreg s5  }
0xaa: {  	[dreg:$0x4] =	wrdreg $0xC0  }
0xab: {  	_ =	task [dreg:s7], $0x5FFFF  }
0xac: {  	[dreg:$0x1] =	wrdreg $0xFFFFFFFF  }
0xad: {  	[dreg:$0x0] =	wrdreg $0x60  }
0xae: {  	[dreg:$0x2] =	wrdreg s2  }
0xaf: {  	[dreg:$0x3] =	wrdreg s24  }
0xb0: {  	[dreg:$0x4] =	wrdreg $0x9  }
0xb1: {  	_ =	task.clear_ibuf [dreg:s7], $0x5FFFF;
	_ =	strace $0x90000046  }
0xb2: {  	s29 =	simm.s32 $0x9;
	_ =	strace $0x80000048  }
0xb3: {  	_ =	swait.ge [sflag:s29], $0x1  }
0xb4: {  	[sflag:s29] =	ssyncadd.s32 $0xFFFFFFFF  }
0xb5: {  	_ =	strace $0x90000048  }
0xb6: {  	_ =	sfence  }
0xb7: {  	s30 =	sld [smem:$0x0];
	_ =	sdelay $0x2  }
0xb8: {  	s31 =	sshll.u32 s1, $0xD;
	s1 =	sshrl.u32 s1, $0x2  }
0xb9: {  	s3 =	sand.u32 $0x4000, s31;
	s1 =	sadd.s32 s1, s30  }
0xba: {  	s0 =	sor.u32 s3, s0;
	s1 =	sshll.u32 s1, $0x11  }
0xbb: {  	s0 =	sor.u32 s1, s0  }
0xbc: {  	s0 =	sadd.s32 $0x8F2B, s0  }
0xbd: {  	[sflag:s0] =	ssyncadd.remote.s32 $0x1  }
0xbe: {  	_ =	sfence.sel $0xFFFF  }
0xbf: {  	[dreg:$0x0] =	wrdreg $0xFFFFFFFF;
	(pc) =	sbr.abs _section_cstart, $3  }
0xc0: {  	[dreg:$0x1] =	wrdreg $0xFFFFFFFF  }
0xc1: {  	_ =	task.clear_ibuf [dreg:s7], $0x2FFFF;
	_ =	strace $0x9FFFFFFF  }
0xc2: {  	(tm) =	ssettm $0x7FFFFFFF  }
0xc3: {  	_ =	shalt  }
tec
execute0_lowered:
.L_overlay_start_1:
0x0: {  	(tag) =	ssettag $0x1  }
0x1: {  	s0 =	rddreg [dreg:$0x0]  }
0x2: {  	s1 =	srdreg.scid;
	s9 =	stileid.u32  }
0x3: {  	s4 =	rddreg [dreg:$0x1];
	s2 =	simm.s32 $0x0;
	s19 =	simm.s32 $0x40  }
0x4: {  	s20 =	simm.s32 $0x280;
	s21 =	simm.s32 $0x10400;
	s22 =	simm.s32 $0x300  }
0x5: {  	s28 =	simm.s32 $0x16400;
	s29 =	simm.s32 $0x480;
	s30 =	simm.s32 $0x18400  }
0x6: {  	s31 =	simm.s32 $0x1;
	s1 =	sand.u32 $0x1, s1;
	s3 =	sshll.u32 s9, $0x1  }
0x7: {  	[smem:$0x7FF] =	sst s2;
	s8 =	sadd.s32 $0x7C0800, s4;
	s9 =	smul.u32 $0x190, s9  }
0x8: {  	s5 =	sor.u32 s1, s3;
	s23 =	ssub.s32 $0x2, s1;
	s1 =	smul.u32 $0xC8, s1  }
0x9: {  	_ =	strace $0x80000047;
	s3 =	sadd.s32 $0x800, s4;
	s6 =	smul.u32 $0xC80, s5  }
0xa: {  	s7 =	smul.u32 $0x320000, s5;
	s10 =	sshrl.u32 s23, $0x1;
	s5 =	sshll.u32 s5, $0x11  }
0xb: {  	s10 =	ssub.s32 s23, s10;
	s5 =	sand.u32 $0x60000, s5;
	s1 =	sadd.s32 s1, s9  }
0xc: {  	s9 =	simm.s32 $0x3;
	s23 =	simm.s32 $0x12400;
	s11 =	sand.u32 $0x7F80000, s7  }
0xd: {  	s4 =	sadd.s32 s0, s6;
	s25 =	sshrl.u32 s7, $0x3;
	s1 =	sshll.u32 s1, $0xB  }
0xe: {  	s7 =	smax.u32 s10, $0x1;
	s10 =	simm.s32 $0x80;
	s24 =	sor.u32 s5, s11  }
0xf: {  	s26 =	sadd.s32 s8, s25;
	s1 =	sadd.s32 s1, s8;
	s11 =	simm.s32 $0x6400  }
0x10: {  	s25 =	simm.s32 $0x14400;
	s0 =	sshrl.u32 s24, $0x3;
	s6 =	sadd.s32 $0x61800, s26  }
0x11: {  	s24 =	simm.s32 $0x380;
	s26 =	simm.s32 $0x400;
	s5 =	sadd.s32 s8, s0  }
0x12: {  	s8 =	sadd.s32 $0x2800, s1;
	s1 =	simm.s32 $0x2;
	s0 =	simm.s32 $0x0  }
.LBB2_1:
0x13: {  	[tilespmem:s2], [sflag:$0x3] =	stream.linear.gather [hbm4b:s4+s2], $0x6400, $0x38;
	[tilespmem:$0x1A400] =	vst v63  }
0x14: {  	_ =	swait.ge [sflag:s9], $0x6400  }
0x15: {  	[sflag:s9] =	ssyncset.done $0x0  }
0x16: {  	[sflag:s9] =	ssyncadd.s32 $0xFFFF9C00  }
0x17: {  	[tilespmem:s11], [sflag:$0x1] =	stream.indirect.gather [hbm4b:s3+s10], $0x40, s2, s10, $0xb8;
	[tilespmem:$0x1A400] =	vst v63  }
0x18: {  	s12 =	simm.s32 $0x8400  }
0x19: {  	[tilespmem:s12], [sflag:$0x1] =	stream.indirect.gather [hbm4b:s3+s10], $0x40, s10, s10, $0xb8;
	[tilespmem:$0x1A400] =	vst v63  }
0x1a: {  	s14 =	simm.s32 $0x100;
	s13 =	simm.s32 $0xA400  }
0x1b: {  	[tilespmem:s13], [sflag:$0x1] =	stream.indirect.gather [hbm4b:s3+s10], $0x40, s14, s10, $0xb8;
	[tilespmem:$0x1A400] =	vst v63  }
0x1c: {  	s15 =	simm.s32 $0x180;
	s16 =	simm.s32 $0xC400  }
0x1d: {  	[tilespmem:s16], [sflag:$0x1] =	stream.indirect.gather [hbm4b:s3+s10], $0x40, s15, s10, $0xb8;
	[tilespmem:$0x1A400] =	vst v63  }
0x1e: {  	s17 =	simm.s32 $0x200;
	s18 =	simm.s32 $0xE400  }
0x1f: {  	[tilespmem:s18], [sflag:$0x1] =	stream.indirect.gather [hbm4b:s3+s10], $0x40, s17, s10, $0xb8;
	[tilespmem:$0x1A400] =	vst v63  }
0x20: {  	_ =	swait.ge [sflag:s31], $0x2000  }
0x21: {  	[sflag:s31] =	ssyncset.done $0x0  }
0x22: {  	[sflag:s31] =	ssyncadd.s32 $0xFFFFE000  }
0x23: {  	_ =	swait.ge [sflag:s31], $0x2000  }
0x24: {  	[sflag:s31] =	ssyncset.done $0x0  }
0x25: {  	[sflag:s31] =	ssyncadd.s32 $0xFFFFE000  }
0x26: {  	_ =	swait.ge [sflag:s31], $0x2000  }
0x27: {  	[sflag:s31] =	ssyncset.done $0x0  }
0x28: {  	[sflag:s31] =	ssyncadd.s32 $0xFFFFE000  }
0x29: {  	_ =	swait.ge [sflag:s31], $0x2000  }
0x2a: {  	[sflag:s31] =	ssyncset.done $0x0  }
0x2b: {  	[sflag:s31] =	ssyncadd.s32 $0xFFFFE000  }
0x2c: {  	_ =	swait.ge [sflag:s31], $0x2000  }
0x2d: {  	[sflag:s31] =	ssyncset.done $0x0  }
0x2e: {  	[sflag:s31] =	ssyncadd.s32 $0xFFFFE000  }
0x2f: {  	[hbm4b:s5+s19] =	stream.strided.scatter [tilespmem:s11], [sflag:$0x2], $0xA000, s10, s19, $0x38;
	[tilespmem:$0x1A400] =	vst v63  }
0x30: {  	_ = 	snop  }
0x31: {  	[tilespmem:s21], [sflag:$0x1] =	stream.indirect.gather [hbm4b:s3+s10], $0x40, s20, s10, $0xb8;
	[tilespmem:$0x1A400] =	vst v63  }
0x32: {  	_ = 	snop  }
0x33: {  	[tilespmem:s23], [sflag:$0x1] =	stream.indirect.gather [hbm4b:s3+s10], $0x40, s22, s10, $0xb8;
	[tilespmem:$0x1A400] =	vst v63  }
0x34: {  	_ = 	snop  }
0x35: {  	[tilespmem:s25], [sflag:$0x1] =	stream.indirect.gather [hbm4b:s3+s10], $0x40, s24, s10, $0xb8;
	[tilespmem:$0x1A400] =	vst v63  }
0x36: {  	_ = 	snop  }
0x37: {  	[tilespmem:s28], [sflag:$0x1] =	stream.indirect.gather [hbm4b:s3+s10], $0x40, s26, s10, $0xb8;
	[tilespmem:$0x1A400] =	vst v63  }
0x38: {  	_ = 	snop  }
0x39: {  	[tilespmem:s30], [sflag:$0x1] =	stream.indirect.gather [hbm4b:s3+s10], $0x40, s29, s10, $0xb8;
	[tilespmem:$0x1A400] =	vst v63  }
0x3a: {  	_ =	swait.ge [sflag:s31], $0x2000  }
0x3b: {  	[sflag:s31] =	ssyncset.done $0x0  }
0x3c: {  	[sflag:s31] =	ssyncadd.s32 $0xFFFFE000  }
0x3d: {  	_ =	swait.ge [sflag:s31], $0x2000  }
0x3e: {  	[sflag:s31] =	ssyncset.done $0x0  }
0x3f: {  	[sflag:s31] =	ssyncadd.s32 $0xFFFFE000  }
0x40: {  	_ =	swait.ge [sflag:s31], $0x2000  }
0x41: {  	[sflag:s31] =	ssyncset.done $0x0  }
0x42: {  	[sflag:s31] =	ssyncadd.s32 $0xFFFFE000  }
0x43: {  	_ =	swait.ge [sflag:s31], $0x2000  }
0x44: {  	s14 =	sand.u32 $0x1, s31;
	[sflag:s31] =	ssyncset.done $0x0  }
0x45: {  	s15 =	smul.u32 $0x28000, s14;
	[sflag:s31] =	ssyncadd.s32 $0xFFFFE000  }
0x46: {  	_ =	swait.ge [sflag:s31], $0x2000  }
0x47: {  	s12 =	sxor.u32 $0x1, s14;
	s13 =	sshrl.u32 s15, $0x2;
	[sflag:s31] =	ssyncset.done $0x0  }
0x48: {  	s12 =	smul.u32 $0x28000, s12;
	s13 =	sadd.s32 $0x6400, s13;
	[sflag:s31] =	ssyncadd.s32 $0xFFFFE000  }
0x49: {  	[hbm4b:s8+s19] =	stream.strided.scatter [tilespmem:s13], [sflag:$0x2], $0xA000, s10, s19, $0x38;
	[tilespmem:$0x1A400] =	vst v63  }
0x4a: {  	s16 =	simm.s32 $0x500;
	_ =	swait.ge [sflag:s1], $0xA000  }
0x4b: {  	s15 =	sshrl.u32 s12, $0x2;
	s18 =	simm.s32 $0x580;
	[sflag:s1] =	ssyncset.done $0x0  }
0x4c: {  	s12 =	sadd.s32 $0x6400, s15;
	s17 =	sadd.s32 $0x8400, s15;
	[sflag:s1] =	ssyncadd.s32 $0xFFFF6000  }
0x4d: {  	[tilespmem:s12], [sflag:$0x1] =	stream.indirect.gather [hbm4b:s3+s10], $0x40, s16, s10, $0xb8;
	[tilespmem:$0x1A400] =	vst v63  }
0x4e: {  	s14 =	sadd.s32 $0xA400, s15;
	s13 =	sadd.s32 $0x2800, s8;
	s16 =	simm.s32 $0x600  }
0x4f: {  	[tilespmem:s17], [sflag:$0x1] =	stream.indirect.gather [hbm4b:s3+s10], $0x40, s18, s10, $0xb8;
	[tilespmem:$0x1A400] =	vst v63  }
0x50: {  	s12 =	simm.s32 $0xA00;
	s17 =	sadd.s32 $0xC400, s15;
	s18 =	simm.s32 $0x680  }
0x51: {  	[tilespmem:s14], [sflag:$0x1] =	stream.indirect.gather [hbm4b:s3+s10], $0x40, s16, s10, $0xb8;
	[tilespmem:$0x1A400] =	vst v63  }
0x52: {  	s15 =	sadd.s32 $0xE400, s15;
	s14 =	simm.s32 $0x2;
	s16 =	simm.s32 $0x700  }
0x53: {  	[tilespmem:s17], [sflag:$0x1] =	stream.indirect.gather [hbm4b:s3+s10], $0x40, s18, s10, $0xb8;
	[tilespmem:$0x1A400] =	vst v63  }
.LBB2_2:
0x54: {  	[tilespmem:s15], [sflag:$0x1] =	stream.indirect.gather [hbm4b:s3+s10], $0x40, s16, s10, $0xb8;
	[tilespmem:$0x1A400] =	vst v63  }
0x55: {  	s15 =	smov.u32 s12  }
0x56: {  	p0 =	sne.s32 s12, $0x17200;
	s12 =	sadd.s32 $0xA00, s12;
	_ =	swait.ge [sflag:s31], $0x2000  }
0x57: {  	[sflag:s31] =	ssyncset.done $0x0  }
0x58: {  	[sflag:s31] =	ssyncadd.s32 $0xFFFFE000  }
0x59: {  	_ =	swait.ge [sflag:s31], $0x2000  }
0x5a: {  	[sflag:s31] =	ssyncset.done $0x0  }
0x5b: {  	[sflag:s31] =	ssyncadd.s32 $0xFFFFE000  }
0x5c: {  	_ =	swait.ge [sflag:s31], $0x2000  }
0x5d: {  	[sflag:s31] =	ssyncset.done $0x0  }
0x5e: {  	[sflag:s31] =	ssyncadd.s32 $0xFFFFE000  }
0x5f: {  	_ =	swait.ge [sflag:s31], $0x2000  }
0x60: {  	s16 =	sand.u32 $0x1, s14;
	[sflag:s31] =	ssyncset.done $0x0  }
0x61: {  	s17 =	smul.u32 $0x28000, s16;
	s16 =	sxor.u32 $0x1, s16;
	[sflag:s31] =	ssyncadd.s32 $0xFFFFE000  }
0x62: {  	s16 =	smul.u32 $0x28000, s16;
	_ =	swait.ge [sflag:s31], $0x2000  }
0x63: {  	s17 =	sshrl.u32 s17, $0x2;
	[sflag:s31] =	ssyncset.done $0x0  }
0x64: {  	s17 =	sadd.s32 $0x6400, s17;
	s16 =	sshrl.u32 s16, $0x2;
	[sflag:s31] =	ssyncadd.s32 $0xFFFFE000  }
0x65: {  	[hbm4b:s13+s19] =	stream.strided.scatter [tilespmem:s17], [sflag:$0x2], $0xA000, s10, s19, $0x38;
	[tilespmem:$0x1A400] =	vst v63  }
0x66: {  	_ =	swait.ge [sflag:s1], $0xA000  }
0x67: {  	s17 =	sshra.s32 s15, $0x2;
	[sflag:s1] =	ssyncset.done $0x0  }
0x68: {  	s15 =	sadd.s32 $0x6400, s16;
	s18 =	sadd.s32 $0x500, s17;
	[sflag:s1] =	ssyncadd.s32 $0xFFFF6000  }
0x69: {  	[tilespmem:s15], [sflag:$0x1] =	stream.indirect.gather [hbm4b:s3+s10], $0x40, s18, s10, $0xb8;
	[tilespmem:$0x1A400] =	vst v63  }
0x6a: {  	s15 =	sadd.s32 $0x8400, s16;
	s18 =	sadd.s32 $0x580, s17  }
0x6b: {  	[tilespmem:s15], [sflag:$0x1] =	stream.indirect.gather [hbm4b:s3+s10], $0x40, s18, s10, $0xb8;
	[tilespmem:$0x1A400] =	vst v63  }
.Ltmp0:
0x6c: {  	s15 =	sadd.s32 $0xA400, s16;
	s18 =	sadd.s32 $0x600, s17;
	(pc) =	sbr.rel @p0 .LBB2_2-.Ltmp0, $4  }
0x6d: {  	[tilespmem:s15], [sflag:$0x1] =	stream.indirect.gather [hbm4b:s3+s10], $0x40, s18, s10, $0xb8;
	[tilespmem:$0x1A400] =	vst v63  }
0x6e: {  	s13 =	sadd.s32 $0x2800, s13;
	s15 =	sadd.s32 $0xC400, s16;
	s18 =	sadd.s32 $0x680, s17  }
0x6f: {  	[tilespmem:s15], [sflag:$0x1] =	stream.indirect.gather [hbm4b:s3+s10], $0x40, s18, s10, $0xb8;
	[tilespmem:$0x1A400] =	vst v63  }
0x70: {  	s14 =	sadd.s32 $0x1, s14;
	s15 =	sadd.s32 $0xE400, s16;
	s16 =	sadd.s32 $0x700, s17  }
0x71: {  	[tilespmem:s15], [sflag:$0x1] =	stream.indirect.gather [hbm4b:s3+s10], $0x40, s16, s10, $0xb8;
	[tilespmem:$0x1A400] =	vst v63  }
0x72: {  	_ =	swait.ge [sflag:s31], $0x2000  }
0x73: {  	[sflag:s31] =	ssyncset.done $0x0  }
0x74: {  	[sflag:s31] =	ssyncadd.s32 $0xFFFFE000  }
0x75: {  	_ =	swait.ge [sflag:s31], $0x2000  }
0x76: {  	[sflag:s31] =	ssyncset.done $0x0  }
0x77: {  	[sflag:s31] =	ssyncadd.s32 $0xFFFFE000  }
0x78: {  	_ =	swait.ge [sflag:s31], $0x2000  }
0x79: {  	[sflag:s31] =	ssyncset.done $0x0  }
0x7a: {  	[sflag:s31] =	ssyncadd.s32 $0xFFFFE000  }
0x7b: {  	_ =	swait.ge [sflag:s31], $0x2000  }
0x7c: {  	[sflag:s31] =	ssyncset.done $0x0  }
0x7d: {  	[sflag:s31] =	ssyncadd.s32 $0xFFFFE000  }
0x7e: {  	_ =	swait.ge [sflag:s31], $0x2000  }
0x7f: {  	[sflag:s31] =	ssyncset.done $0x0  }
0x80: {  	s0 =	sadd.s32 $0x1, s0;
	[sflag:s31] =	ssyncadd.s32 $0xFFFFE000  }
0x81: {  	[hbm4b:s6+s19] =	stream.strided.scatter [tilespmem:s21], [sflag:$0x2], $0xA000, s10, s19, $0x38;
	[tilespmem:$0x1A400] =	vst v63  }
0x82: {  	p0 =	sne.s32 s0, s7;
	_ =	swait.ge [sflag:s1], $0xA000  }
.Ltmp1:
0x83: {  	[sflag:s1] =	ssyncset.done $0x0;
	(pc) =	sbr.rel @p0 .LBB2_1-.Ltmp1, $4  }
0x84: {  	[sflag:s1] =	ssyncadd.s32 $0xFFFF6000  }
0x85: {  	_ =	swait.ge [sflag:s1], $0xA000  }
0x86: {  	[sflag:s1] =	ssyncset.done $0x0  }
0x87: {  	[sflag:s1] =	ssyncadd.s32 $0xFFFF6000  }
0x88: {  	_ =	sfence.sel $0x180000  }
0x89: {  	[bflag:$0x0] =	sbarrier.arrive $0xFFFF  }
0x8a: {  	_ =	strace $0x90000047  }
0x8b: {  	s0 =	stileid.u32;
	[bflag:$0x2] =	sbarrier.arrive $0xFFFF  }
0x8c: {  	p0 =	sne.s32 s0, $0x0;
	s0 =	rddreg [dreg:$0x2]  }
0x8d: {  	s0 =	sadd.s32 @!p0 $0x100000, s0  }
0x8e: {  	[sflag:s0] =	ssyncadd.tile.s32 @!p0 $0x1;
	_ =	shalt  }
.Lfunc_end2:
_tile_overlayer_lowered:
.L_overlay_start_2:
0x8f: {  	(tag) =	ssettag $0x2  }
0x90: {  	s0 =	rddreg [dreg:$0x0];
	s2 =	stileid.u32  }
0x91: {  	s1 =	rddreg [dreg:$0x1];
	p0 =	sne.s32 s2, $0x0  }
0x92: {  	s3 =	rddreg [dreg:$0x2];
	[bflag:$0x3] =	sbarrier.arrive $0xFFFF;
	s2 =	simm.s32 @!p0 $0x1C03  }
0x93: {  	[timem:s3], [sflag:s2] =	dma.local @!p0 [hbm:s0], s1  }
0x94: {  	s0 =	simm.s32 @!p0 $0x3  }
0x95: {  	_ =	swait.ge @!p0 [sflag:s0], s1  }
0x96: {  	s1 =	ssub.s32 @!p0 $0x0, s1;
	[sflag:s0] =	ssyncset.done @!p0 $0x0  }
0x97: {  	[sflag:s0] =	ssyncadd.s32 @!p0 s1  }
0x98: {  	[bflag:$0x3] =	sbarrier.arrive $0xFFFF  }
0x99: {  	_ =	shalt  }

// kernel: sparse-core-data-format-call.cloned.1.call-start
scs
called_computation_lowered:
.L_overlay_start_0:
0x0: {  	s2 =	sld [smem:$0x3FD9]  }
0x1: {  	s3 =	sld [smem:$0x3FFE];
	_ =	sdelay $0x1  }
0x2: {  	s1 =	srdreg.scid  }
0x3: {  	s0 =	sand.u32 $0x1, s1  }
0x4: {  	s18 =	sshll.u32 s0, $0xA;
	s2 =	sadd.s32 s3, s2  }
0x5: {  	s2 =	sadd.s32 s2, s18  }
0x6: {  	[smem:$0x3FC6] =	sst s2  }
0x7: {  	_ = 	snop  }
0x8: {  	s2 =	sld [smem:$0x3FD0];
	(tm) =	ssettm $0x1  }
0x9: {  	s19 =	sld [smem:$0x3FFB];
	_ =	sdelay $0x3  }
0xa: {  	_ =	strace s19  }
0xb: {  	s3 =	sld [smem:$0x3FFC];
	_ =	sdelay $0x3  }
0xc: {  	_ =	strace s3  }
0xd: {  	s3 =	sld [smem:$0x3FFD];
	_ =	sdelay $0x3  }
0xe: {  	_ =	strace s3  }
0xf: {  	_ =	strace $0x8FFFFFFF  }
0x10: {  	s20 =	sld [smem:$0x3FDB];
	_ =	sdelay $0x1  }
0x11: {  	s4 =	simm.s32 $_scs_section_size  }
0x12: {  	s5 =	simm.s32 $_size__tile_overlayer_lowered;
	s6 =	simm.s32 $_tile_overlayer_lowered  }
0x13: {  	s23 =	simm.s32 $0x1BFF;
	s22 =	sshll.u32 s6, $0x1;
	s3 =	sadd.s32 s4, s20  }
0x14: {  	s7 =	simm.s32 $0x0;
	s21 =	sshll.u32 s5, $0x1;
	s5 =	sadd.s32 s22, s3  }
0x15: {  	[timem:s7], [sflag:s23] =	dma.local [hbm:s5], s21  }
0x16: {  	_ =	swait.ge [sflag:s23], s21  }
0x17: {  	s4 =	ssub.s32 $0x0, s21;
	[sflag:s23] =	ssyncset.done $0x0  }
0x18: {  	[sflag:s23] =	ssyncadd.s32 s4;
	_ =	sdelay $0x1  }
0x19: {  	s24 =	simm.s32 $0x1B8B  }
0x1a: {  	_ =	swait.ge [sflag:s24], $0x1  }
0x1b: {  	[sflag:s24] =	ssyncset.done $0x0  }
0x1c: {  	s26 =	simm.s32 $0x1B8E;
	s25 =	sld [smem:$0x3FFE];
	[sflag:s24] =	ssyncadd.s32 $0xFFFFFFFF  }
0x1d: {  	s27 =	simm.s32 $execute0_lowered;
	[smem:$0x3FD2] =	sst s26  }
0x1e: {  	s5 =	sshll.u32 s27, $0x1;
	_ =	strace $0x80000049;
	[dreg:$0x1] =	wrdreg $0xFFFFFFFF  }
0x1f: {  	s28 =	simm.s32 $_size_execute0_lowered;
	s3 =	sadd.s32 s3, s5;
	[dreg:$0x0] =	wrdreg $0x0  }
0x20: {  	s5 =	sshll.u32 s28, $0x1;
	[dreg:$0x2] =	wrdreg s3  }
0x21: {  	[dreg:$0x3] =	wrdreg s5  }
0x22: {  	[dreg:$0x4] =	wrdreg $0xC0  }
0x23: {  	_ =	task [dreg:s7], $0x5FFFF  }
0x24: {  	[dreg:$0x1] =	wrdreg $0xFFFFFFFF  }
0x25: {  	[dreg:$0x0] =	wrdreg $0x60  }
0x26: {  	[dreg:$0x2] =	wrdreg s25  }
0x27: {  	[dreg:$0x3] =	wrdreg s2  }
0x28: {  	[dreg:$0x4] =	wrdreg $0x9  }
0x29: {  	_ =	task.clear_ibuf [dreg:s7], $0x5FFFF;
	_ =	strace $0x90000049  }
0x2a: {  	s29 =	simm.s32 $0x9;
	_ =	strace $0x8000004B  }
0x2b: {  	_ =	swait.ge [sflag:s29], $0x1  }
0x2c: {  	[sflag:s29] =	ssyncadd.s32 $0xFFFFFFFF  }
0x2d: {  	_ =	strace $0x9000004B  }
0x2e: {  	_ =	sfence  }
0x2f: {  	s30 =	sld [smem:$0x0];
	_ =	sdelay $0x2  }
0x30: {  	s31 =	sshll.u32 s1, $0xD;
	s1 =	sshrl.u32 s1, $0x2  }
0x31: {  	s3 =	sand.u32 $0x4000, s31;
	s1 =	sadd.s32 s1, s30  }
0x32: {  	s0 =	sor.u32 s3, s0;
	s1 =	sshll.u32 s1, $0x11  }
0x33: {  	s0 =	sor.u32 s1, s0  }
0x34: {  	s0 =	sadd.s32 $0x8F2B, s0  }
0x35: {  	[sflag:s0] =	ssyncadd.remote.s32 $0x1  }
0x36: {  	_ =	sfence.sel $0xFFFF  }
0x37: {  	[dreg:$0x0] =	wrdreg $0xFFFFFFFF;
	(pc) =	sbr.abs _section_cstart, $3  }
0x38: {  	[dreg:$0x1] =	wrdreg $0xFFFFFFFF  }
0x39: {  	_ =	task.clear_ibuf [dreg:s7], $0x2FFFF;
	_ =	strace $0x9FFFFFFF  }
0x3a: {  	(tm) =	ssettm $0x7FFFFFFF  }
0x3b: {  	_ =	shalt  }
tec
execute0_lowered:
.L_overlay_start_1:
0x0: {  	(tag) =	ssettag $0x1  }
0x1: {  	s0 =	srdreg.scid  }
0x2: {  	s1 =	sshll.u32 s0, $0x4  }
0x3: {  	s5 =	rddreg [dreg:$0x0];
	s0 =	stileid.u32;
	s1 =	sand.u32 $0x10, s1  }
0x4: {  	s3 =	rddreg [dreg:$0x1];
	s31 =	simm.s32 $0x2;
	s4 =	sor.u32 s0, s1  }
0x5: {  	s13 =	simm.s32 $0x0;
	s9 =	simm.s32 $0x400;
	s2 =	sshll.u32 s4, $0x7  }
0x6: {  	s10 =	simm.s32 $0x8000;
	s14 =	simm.s32 $0x0;
	s6 =	ssub.s32 $0x1000, s2  }
0x7: {  	s1 =	rddreg [dreg:$0x2];
	_ =	strace $0x8000004A;
	s7 =	sand.u32 $0xF80, s6  }
0x8: {  	s4 =	sshll.u32 s4, $0xB;
	p0 =	sne.s32 s7, $0x0;
	s7 =	simm.s32 $0x1  }
.Ltmp0:
0x9: {  	s6 =	sshrl.u32 s6, $0xC;
	s7 =	simm.s32 @!p0 $0x0;
	(pc) =	sbr.rel .LBB1_1-.Ltmp0, $4  }
0xa: {  	s8 =	sadd.s32 s4, s5;
	s4 =	simm.s32 $0x1;
	s30 =	sadd.s32 s7, s6  }
0xb: {  	s11 =	simm.s32 $0x0;
	[sflag:s4] =	ssyncpa.u1 $0x0;
	s5 =	smul.u32 $0x64, s30  }
0xc: {  	s12 =	simm.s32 $0x0;
	[sflag:s31] =	ssyncpa.u1 $0x0;
	p0 =	por $0x0, $0x0  }
0xd: {  	s6 =	sadd.s32 $0x1440800, s8;
	s7 =	sadd.s32 $0x1450800, s8;
	s8 =	sor.u32 $0x1, s5  }
.LBB1_7:
0xe: {  	s15 =	sadd.s32 $0x2, s11  }
0xf: {  	p2 =	sgt.s32 s15, $0xC7  }
0x10: {  	s15 =	simm.s32 @p2 $0x0;
	p2 =	sne.s32 s12, s8  }
.Ltmp1:
0x11: {  	p1 =	slt.u32 s12, $0x2;
	(pc) =	sbr.rel @!p2 .LBB1_8-.Ltmp1, $4  }
0x12: {  	s13 =	simm.s32 @!p1 $0x2  }
0x13: {  	s16 =	sadd.s32 $0x1, s12;
	s14 =	smov.u32 s11;
	_ =	swait.ge @!p1 [sflag:s13], $0x4000  }
0x14: {  	p0 =	por !p0, !p0;
	s12 =	smov.u32 s16;
	[sflag:s13] =	ssyncset.done @!p1 $0x0  }
0x15: {  	s11 =	smov.u32 s15;
	[sflag:s13] =	ssyncadd.s32 @!p1 $0xFFFFC000;
	s13 =	smov.u32 s2  }
.LBB1_1:
0x16: {  	p1 =	sge.u32 s12, s5  }
0x17: {  	s15 =	sxor.u32 @!p1 $0xFFFFFFFF, s12  }
0x18: {  	s16 =	sshll.u32 @!p1 s11, $0x10;
	s18 =	simm.s32 @!p1 $0x40;
	s15 =	sshll.u32 @!p1 s15, $0xE  }
0x19: {  	s19 =	simm.s32 @!p1 $0x80;
	s17 =	sadd.s32 @!p1 s16, s6;
	s15 =	sand.u32 @!p1 $0x4000, s15  }
0x1a: {  	[tilespmem:s15], [sflag:$0x1] =	stream.strided.gather @!p1 [hbm4b:s17+s18], $0x2000, s19, s18, $0x38;
	[tilespmem:$0x10100] =	vst v63  }
0x1b: {  	s31 =	sadd.s32 $0xFFFFFFFF, s12;
	s16 =	sadd.s32 @!p1 s16, s7;
	s15 =	sor.u32 @!p1 $0x2000, s15  }
0x1c: {  	[tilespmem:s15], [sflag:$0x1] =	stream.strided.gather @!p1 [hbm4b:s16+s18], $0x2000, s19, s18, $0x38;
	[tilespmem:$0x10100] =	vst v63  }
0x1d: {  	p1 =	sge.u32 s31, s5  }
.Ltmp2:
0x1e: {  	_ = 	snop;
	(pc) =	sbr.rel @p1 .LBB1_7-.Ltmp2, $1  }
0x1f: {  	_ =	sdelay $0x3  }
0x20: {  	s15 =	simm.s32 $0x1;
	s17 =	sand.u32 $0x1, s12  }
0x21: {  	_ =	swait.ge [sflag:s4], $0x4000;
	s15 =	simm.s32 @!p0 $0x0;
	s17 =	smul.u32 $0x10200, s17  }
0x22: {  	p2 =	por $0x1, $0x1;
	[sflag:s4] =	ssyncset.done $0x0;
	s16 =	smul.u32 $0x10200, s15  }
0x23: {  	s18 =	sshll.u32 s15, $0x10;
	[sflag:s4] =	ssyncadd.s32 $0xFFFFC000;
	s30 =	sshrl.u32 s17, $0x2  }
0x24: {  	s31 =	sshrl.u32 s18, $0x2;
	s18 =	simm.s32 $0x0;
	s16 =	sshrl.u32 s16, $0x2  }
0x25: {  	s15 =	sor.u32 $0x8000, s30;
	s17 =	sadd.s32 $0x20, s31;
	s16 =	sor.u32 $0x8000, s16  }
.LBB1_3:
0x26: {  	s19 =	sshll.u32 s18, $0xD  }
0x27: {  	s19 =	sand.u32 $0x3FFFE000, s19  }
0x28: {  	s21 =	sadd.s32 s19, s17  }
0x29: {  	s31 =	smul.u32 $0x8100, s18;
	v3 =	vld [tilespmem:s21+$0x10]  }
0x2a: {  	v1 =	vld [tilespmem:s21+$0xFFFFFFF0]  }
0x2b: {  	s18 =	sshra.s32 s31, $0x2;
	v0 =	vld [tilespmem:s21+$0x0]  }
0x2c: {  	s18 =	sadd.s32 s18, s16;
	v2 =	vld [tilespmem:s21+$0xFFFFFFE0]  }
0x2d: {  	s19 =	sadd.s32 $0x0, s18  }
0x2e: {  	p1 =	por p2, p2;
	s20 =	simm.s32 $0x4;
	s21 =	sadd.s32 $0x40, s21;
	[tilespmem:s19+$0x1830 ss:$0x81] =	vst.msk $0xffff, v3  }
.LBB1_4:
0x2f: {  	v3 =	vld [tilespmem:s21+$0x10];
	p2 =	sne.s32 s20, $0x1FC;
	[tilespmem:s19+$0x810 ss:$0x81] =	vst.msk $0xffff, v1;
	s22 =	smov.u32 s20;
	s20 =	sadd.s32 $0x4, s20  }
.Ltmp3:
0x30: {  	v1 =	vld [tilespmem:s21+$0xFFFFFFF0];
	[tilespmem:s19+$0x1020 ss:$0x81] =	vst.msk $0xffff, v0;
	(pc) =	sbr.rel @p2 .LBB1_4-.Ltmp3, $4  }
0x31: {  	v0 =	vld [tilespmem:s21+$0x0];
	[tilespmem:s19+$0x0 ss:$0x81] =	vst.msk $0xffff, v2  }
0x32: {  	s19 =	sshra.s32 s22, $0x2;
	v2 =	vld [tilespmem:s21+$0xFFFFFFE0]  }
0x33: {  	s19 =	sadd.s32 s19, s18  }
0x34: {  	s21 =	sadd.s32 $0x40, s21;
	[tilespmem:s19+$0x1830 ss:$0x81] =	vst.msk $0xffff, v3  }
.Ltmp4:
0x35: {  	(pc) =	sbr.rel @p1 .LBB1_3-.Ltmp4, $4  }
0x36: {  	_ = 	snop  }
0x37: {  	[tilespmem:s19+$0x810 ss:$0x81] =	vst.msk $0xffff, v1  }
0x38: {  	[tilespmem:s19+$0x1020 ss:$0x81] =	vst.msk $0xffff, v0  }
0x39: {  	s18 =	simm.s32 $0x1;
	p2 =	por $0x0, $0x0;
	[tilespmem:s19+$0x0 ss:$0x81] =	vst.msk $0xffff, v2  }
.Ltmp5:
0x3a: {  	(pc) =	sbr.rel .LBB1_7-.Ltmp5, $4  }
0x3b: {  	s14 =	sshll.u32 s14, $0xF  }
0x3c: {  	s14 =	sadd.s32 s3, s14  }
0x3d: {  	s13 =	sadd.s32 s13, s14  }
0x3e: {  	[hbm4b:s13+s9] =	stream.strided.scatter [tilespmem:s15], [sflag:$0x2], $0x4000, s10, s9, $0x20;
	[tilespmem:$0x10100] =	vst v63  }
.LBB1_8:
0x3f: {  	_ =	sfence.sel $0x180000  }
0x40: {  	s2 =	simm.s32 $0x1;
	[bflag:$0x0] =	sbarrier.arrive $0xFFFF  }
0x41: {  	s31 =	simm.s32 $0x2;
	[sflag:s2] =	ssyncpa.u1 $0x1  }
0x42: {  	[sflag:s31] =	ssyncpa.u1 $0x1  }
0x43: {  	p0 =	sne.s32 s0, $0x0;
	_ =	strace $0x9000004A  }
0x44: {  	s0 =	sadd.s32 @!p0 $0x100000, s1;
	[bflag:$0x2] =	sbarrier.arrive $0xFFFF  }
0x45: {  	[sflag:s0] =	ssyncadd.tile.s32 @!p0 $0x1;
	_ =	shalt  }
.Lfunc_end1:
_tile_overlayer_lowered:
.L_overlay_start_2:
0x46: {  	(tag) =	ssettag $0x2  }
0x47: {  	s0 =	rddreg [dreg:$0x0];
	s2 =	stileid.u32  }
0x48: {  	s1 =	rddreg [dreg:$0x1];
	p0 =	sne.s32 s2, $0x0  }
0x49: {  	s3 =	rddreg [dreg:$0x2];
	[bflag:$0x3] =	sbarrier.arrive $0xFFFF;
	s2 =	simm.s32 @!p0 $0x1C01  }
0x4a: {  	[timem:s3], [sflag:s2] =	dma.local @!p0 [hbm:s0], s1  }
0x4b: {  	s0 =	simm.s32 @!p0 $0x1  }
0x4c: {  	_ =	swait.ge @!p0 [sflag:s0], s1  }
0x4d: {  	s1 =	ssub.s32 @!p0 $0x0, s1;
	[sflag:s0] =	ssyncset.done @!p0 $0x0  }
0x4e: {  	[sflag:s0] =	ssyncadd.s32 @!p0 s1  }
0x4f: {  	[bflag:$0x3] =	sbarrier.arrive $0xFFFF  }
0x50: {  	_ =	shalt  }

</sc_bundles>
